<compile_context>
chip_gen: v7x
topology: tpu7x:2x2x1
jax: 0.10.2.dev20260603
libtpu: 0.0.44.dev20260713+nightly
codegen_flags: <defaults>
</compile_context>

<pallas_src>
import functools

import jax
import jax.numpy as jnp
from jax import lax
from jax.experimental import pallas as pl
from jax.experimental.pallas import tpu as pltpu
from jax.experimental.pallas import tpu_sc as plsc

N = 10000
E = 320000
NG = 64
D_IN = 128
D_H = 128
D_H2 = 32

NC = 2
NS = 16
NW = NC * NS
L = 16

OWN = 320
N_PAD = OWN * NW
NROW = N_PAD // NS
ZCH = 128
EPT = E // NW
CHUNK = 80
NCHUNK = EPT // CHUNK

BLK = 2000
NBLK = E // BLK
NGRP = BLK // L
CAPB = E + 80

_MESH = plsc.VectorSubcoreMesh(core_axis_name="c", subcore_axis_name="s")
NEG = float("-inf")

import dataclasses as _dc

_SC_PARAMS = pltpu.CompilerParams()
if "needs_layout_passes" in pltpu.CompilerParams.__dataclass_fields__:
    _SC_PARAMS = _dc.replace(_SC_PARAMS, needs_layout_passes=False)

_SC_PARAMS_U = _dc.replace(_SC_PARAMS, use_tc_tiling_on_sc=False)


def _wid():
    return lax.axis_index("s") * NC + lax.axis_index("c")


def _deg_body(dst3_hbm, out_hbm, didx2, ones_b, zbuf, acc_sh, sem):
    c = lax.axis_index("c")
    s = lax.axis_index("s")
    w = _wid()

    zrow = jnp.zeros((L,), jnp.float32)
    one = jnp.ones((L,), jnp.float32)

    @pl.loop(0, ZCH)
    def _(i):
        zbuf[i, pl.ds(0, L)] = zrow

    @pl.loop(0, CHUNK)
    def _(i):
        ones_b[i, pl.ds(0, L)] = one

    pltpu.sync_copy(dst3_hbm.at[w], didx2)
    for j in range(5):
        pltpu.sync_copy(zbuf, acc_sh.at[pl.ds(s * NROW + j * ZCH, ZCH), :])
    plsc.subcore_barrier()

    @pl.loop(0, NCHUNK // 25)
    def _(r):
        @pl.loop(0, 25)
        def _(j):
            pltpu.async_copy(ones_b, acc_sh.at[didx2.at[r * 25 + j]], sem,
                             add=True)

        @pl.loop(0, 25)
        def _(j):
            pltpu.make_async_copy(ones_b, acc_sh.at[didx2.at[r * 25 + j]],
                                  sem).wait()

    plsc.subcore_barrier()
    for j in range(5):
        r0 = s * NROW + j * ZCH
        pltpu.sync_copy(acc_sh.at[pl.ds(r0, ZCH), :],
                        out_hbm.at[c, pl.ds(r0, ZCH), :])


@jax.jit
def _deg_call(ei_dst3):
    return pl.kernel(
        _deg_body,
        out_type=jax.ShapeDtypeStruct((NC, N_PAD, L), jnp.float32),
        mesh=_MESH,
        compiler_params=_SC_PARAMS_U,
        scratch_types=[
            pltpu.VMEM((NCHUNK, CHUNK), jnp.int32),
            pltpu.VMEM((CHUNK, L), jnp.float32),
            pltpu.VMEM((ZCH, L), jnp.float32),
            pltpu.VMEM_SHARED((N_PAD, L), jnp.float32),
            pltpu.SemaphoreType.DMA,
        ],
    )(ei_dst3)


def _add_body(d, g_hbm, src_hbm, dst_hbm, out_hbm,
              sb0, sb1, sb2, db0, db1, db2, rows0, rows1, rows2,
              zbuf, acc_sh, gs0, gs1, gs2, isem, jsem):
    c = lax.axis_index("c")
    s = lax.axis_index("s")
    w = _wid()
    sb = [sb0, sb1, sb2]
    db = [db0, db1, db2]
    rows = [rows0, rows1, rows2]
    gsem = [gs0, gs1, gs2]

    zrow = jnp.zeros((L,), jnp.float32)

    @pl.loop(0, 64)
    def _(i):
        for q in range(d // L):
            zbuf[i, pl.ds(q * L, L)] = zrow

    for j in range(10):
        pltpu.sync_copy(zbuf, acc_sh.at[pl.ds(s * NROW + j * 64, 64), :])
    plsc.subcore_barrier()

    def fetch(cc, p):
        be = w * EPT + cc * CHUNK
        pltpu.async_copy(src_hbm.at[pl.ds(be, CHUNK)], sb[p], isem)
        pltpu.async_copy(dst_hbm.at[pl.ds(be, CHUNK)], db[p], jsem)
        pltpu.make_async_copy(src_hbm.at[pl.ds(be, CHUNK)], sb[p],
                              isem).wait()
        pltpu.make_async_copy(dst_hbm.at[pl.ds(be, CHUNK)], db[p],
                              jsem).wait()
        pltpu.async_copy(g_hbm.at[sb[p]], rows[p], gsem[p])

    for p in range(3):
        fetch(p, p)

    @pl.loop(0, (NCHUNK + 2) // 3)
    def _(i):
        for p in range(3):
            cc = i * 3 + p

            @pl.when(cc < NCHUNK)
            def _(p=p, cc=cc):
                pltpu.make_async_copy(g_hbm.at[sb[p]], rows[p],
                                      gsem[p]).wait()
                pltpu.sync_copy(rows[p], acc_sh.at[db[p]], add=True)

            @pl.when(cc + 3 < NCHUNK)
            def _(p=p, cc=cc):
                fetch(cc + 3, p)

    plsc.subcore_barrier()
    for j in range(5):
        r0 = s * NROW + j * ZCH
        pltpu.sync_copy(acc_sh.at[pl.ds(r0, ZCH), :],
                        out_hbm.at[c, pl.ds(r0, ZCH), :])


def _make_add_call(d):
    @jax.jit
    def call(g, src, dst):
        return pl.kernel(
            functools.partial(_add_body, d),
            out_type=jax.ShapeDtypeStruct((NC, N_PAD, d), jnp.float32),
            mesh=_MESH,
            compiler_params=_SC_PARAMS if d % 128 == 0 else _SC_PARAMS_U,
            scratch_types=(
                [pltpu.VMEM((CHUNK,), jnp.int32)] * 6
                + [pltpu.VMEM((CHUNK, d), jnp.float32)] * 3
                + [pltpu.VMEM((64, d), jnp.float32),
                   pltpu.VMEM_SHARED((N_PAD, d), jnp.float32)]
                + [pltpu.SemaphoreType.DMA] * 5
            ),
        )(g, src, dst)

    return call


_add_call_128 = _make_add_call(D_H)
_add_call_32 = _make_add_call(D_H2)


def _bucket_body(asrc_hbm, adst_hbm, bsrc_hbm, bdst_hbm, cnt_hbm,
                 lsrc0, ldst0, lsrc1, ldst1, ssrc, sdst, cbuf,
                 la0, lb0, la1, lb1):
    w = _wid()
    base = w * OWN
    hi = base + OWN
    bb = w * CAPB

    lsrc = [lsrc0, lsrc1]
    ldst = [ldst0, ldst1]
    lsem = [la0, la1]
    dsem = [lb0, lb1]

    pltpu.sync_copy(asrc_hbm.at[pl.ds(0, BLK)], lsrc0)
    pltpu.sync_copy(adst_hbm.at[pl.ds(0, BLK)], ldst0)

    def process(blk, ls, ld, carry):
        off, nb = carry

        def grp(g, off):
            dv = ld[pl.ds(g * L, L)]
            sv = ls[pl.ds(g * L, L)]
            m = (dv >= base) & (dv < hi)
            plsc.store_compressed(sdst.at[pl.ds(off, L)], dv, mask=m)
            plsc.store_compressed(ssrc.at[pl.ds(off, L)], sv, mask=m)
            cntv = plsc.all_reduce_population_count(m)
            return off + jnp.squeeze(lax.slice(cntv, (0,), (1,)))

        off = lax.fori_loop(0, NGRP, grp, off, unroll=False)

        nunits = off // 80

        def flush(u, _):
            pltpu.sync_copy(ssrc.at[pl.ds(u * 80, 80)],
                            bsrc_hbm.at[pl.ds(bb + (nb + u) * 80, 80)])
            pltpu.sync_copy(sdst.at[pl.ds(u * 80, 80)],
                            bdst_hbm.at[pl.ds(bb + (nb + u) * 80, 80)])
            return 0

        lax.fori_loop(0, nunits, flush, 0, unroll=False)
        rem = off - nunits * 80
        for r in range(5):
            sv = ssrc[pl.ds(nunits * 80 + r * L, L)]
            dv = sdst[pl.ds(nunits * 80 + r * L, L)]
            ssrc[pl.ds(r * L, L)] = sv
            sdst[pl.ds(r * L, L)] = dv
        return (rem, nb + nunits)

    def rnd(i, carry):
        for p in range(2):
            blk = 2 * i + p

            @pl.when(blk + 1 < NBLK)
            def _():
                nxt = (blk + 1) * BLK
                pltpu.async_copy(asrc_hbm.at[pl.ds(nxt, BLK)], lsrc[1 - p],
                                 lsem[1 - p])
                pltpu.async_copy(adst_hbm.at[pl.ds(nxt, BLK)], ldst[1 - p],
                                 dsem[1 - p])

            @pl.when(blk > 0)
            def _():
                pltpu.make_async_copy(asrc_hbm.at[pl.ds(blk * BLK, BLK)],
                                      lsrc[p], lsem[p]).wait()
                pltpu.make_async_copy(adst_hbm.at[pl.ds(blk * BLK, BLK)],
                                      ldst[p], dsem[p]).wait()

            carry = process(blk, lsrc[p], ldst[p], carry)
        return carry

    off, nb = lax.fori_loop(0, NBLK // 2, rnd, (jnp.int32(0), jnp.int32(0)),
                            unroll=False)

    sent_s = jnp.full((L,), N, jnp.int32)
    sent_d = jnp.full((L,), base, jnp.int32)
    for r in range(5):
        ssrc[pl.ds(off + r * L, L)] = sent_s
        sdst[pl.ds(off + r * L, L)] = sent_d

    @pl.when(off > 0)
    def _():
        pltpu.sync_copy(ssrc.at[pl.ds(0, 80)],
                        bsrc_hbm.at[pl.ds(bb + nb * 80, 80)])
        pltpu.sync_copy(sdst.at[pl.ds(0, 80)],
                        bdst_hbm.at[pl.ds(bb + nb * 80, 80)])

    nbf = nb + (off > 0).astype(jnp.int32)
    cbuf[pl.ds(0, L)] = jnp.full((L,), 0, jnp.int32) + nbf
    pltpu.sync_copy(cbuf, cnt_hbm.at[pl.ds(w * L, L)])


@jax.jit
def _bucket_call(aj_src, aj_dst):
    return pl.kernel(
        _bucket_body,
        out_type=(
            jax.ShapeDtypeStruct((NW * CAPB,), jnp.int32),
            jax.ShapeDtypeStruct((NW * CAPB,), jnp.int32),
            jax.ShapeDtypeStruct((NW * L,), jnp.int32),
        ),
        mesh=_MESH,
        compiler_params=_SC_PARAMS,
        scratch_types=(
            [pltpu.VMEM((BLK,), jnp.int32)] * 4
            + [pltpu.VMEM((BLK + 96,), jnp.int32)] * 2
            + [pltpu.VMEM((L,), jnp.int32)]
            + [pltpu.SemaphoreType.DMA] * 4
        ),
    )(aj_src, aj_dst)


def _max_body(d, tab_hbm, bsrc_hbm, bdst_hbm, cnt_hbm, out_hbm,
              sb0, sb1, sb2, sb3, sb4, db0, db1, db2, db3, db4,
              rows0, rows1, rows2, rows3, rows4,
              acc, cbuf, gs0, gs1, gs2, gs3, gs4, isem, jsem):
    w = _wid()
    base = w * OWN
    bb = w * CAPB

    sb = [sb0, sb1, sb2, sb3, sb4]
    db = [db0, db1, db2, db3, db4]
    rows = [rows0, rows1, rows2, rows3, rows4]
    gsem = [gs0, gs1, gs2, gs3, gs4]

    ninf = jnp.full((L,), NEG, jnp.float32)

    @pl.loop(0, OWN * d // L)
    def _(i):
        acc[pl.ds(i * L, L)] = ninf

    pltpu.sync_copy(cnt_hbm.at[pl.ds(w * L, L)], cbuf)
    nb = jnp.max(cbuf[pl.ds(0, L)], axis=0)

    def fetch(cc, p):
        pltpu.async_copy(bsrc_hbm.at[pl.ds(bb + cc * 80, 80)], sb[p], isem)
        pltpu.async_copy(bdst_hbm.at[pl.ds(bb + cc * 80, 80)], db[p], jsem)
        pltpu.make_async_copy(bsrc_hbm.at[pl.ds(bb + cc * 80, 80)], sb[p],
                              isem).wait()
        pltpu.make_async_copy(bdst_hbm.at[pl.ds(bb + cc * 80, 80)], db[p],
                              jsem).wait()
        pltpu.async_copy(tab_hbm.at[sb[p]], rows[p], gsem[p])

    for p in range(5):
        @pl.when(p < nb)
        def _(p=p):
            fetch(p, p)

    def rmw(p, cc):
        pltpu.make_async_copy(tab_hbm.at[sb[p]], rows[p], gsem[p]).wait()

        def grp(g, _):
            offv = (db[p][pl.ds(g * L, L)] - base) * d
            dlos = [jnp.squeeze(lax.slice(offv, (k,), (k + 1,)))
                    for k in range(L)]
            for k in range(L):
                dlo = dlos[k]
                e = g * L + k
                avs = [acc[pl.ds(dlo + q * L, L)] for q in range(d // L)]
                rvs = [rows[p][e, pl.ds(q * L, L)] for q in range(d // L)]
                for q in range(d // L):
                    acc[pl.ds(dlo + q * L, L)] = jnp.maximum(avs[q], rvs[q])
            return 0

        lax.fori_loop(0, 5, grp, 0, unroll=False)

    def rnd(i, _):
        for p in range(5):
            cc = i * 5 + p

            @pl.when(cc < nb)
            def _(p=p, cc=cc):
                rmw(p, cc)

            @pl.when(cc + 5 < nb)
            def _(p=p, cc=cc):
                fetch(cc + 5, p)
        return 0

    lax.fori_loop(0, (nb + 4) // 5, rnd, 0, unroll=False)

    pltpu.sync_copy(acc, out_hbm.at[pl.ds(w * OWN * d, OWN * d)])


def _make_max_call(d):
    @jax.jit
    def call(tab, bsrc, bdst, bcnt):
        flat = pl.kernel(
            functools.partial(_max_body, d),
            out_type=jax.ShapeDtypeStruct((N_PAD * d,), jnp.float32),
            mesh=_MESH,
            compiler_params=_SC_PARAMS if d % 128 == 0 else _SC_PARAMS_U,
            scratch_types=(
                [pltpu.VMEM((80,), jnp.int32)] * 10
                + [pltpu.VMEM((80, d), jnp.float32)] * 5
                + [pltpu.VMEM((OWN * d,), jnp.float32),
                   pltpu.VMEM((L,), jnp.int32)]
                + [pltpu.SemaphoreType.DMA] * 7
            ),
        )(tab, bsrc, bdst, bcnt)
        return flat.reshape(N_PAD, d)

    return call


_max_call_128 = _make_max_call(D_H)
_max_call_32 = _make_max_call(D_H2)


def _dinv(deg_ref):
    total = 1.0 + deg_ref[0, :, 0:1] + deg_ref[1, :, 0:1]
    return lax.rsqrt(total)


def _tc1_body(x_ref, w1_ref, deg_ref, g_ref):
    h = jnp.dot(x_ref[...], w1_ref[...], preferred_element_type=jnp.float32)
    g_ref[...] = h * _dinv(deg_ref)


@jax.jit
def _tc1(x, W1, deg):
    return pl.pallas_call(
        _tc1_body,
        out_shape=jax.ShapeDtypeStruct((N, D_H), jnp.float32),
    )(x, W1, deg)


def _tc_mid_body(dh, p_ref, g_ref, deg_ref, we_ref, be_ref, b_ref,
                 a_ref, bv_ref):
    dinv = _dinv(deg_ref)
    h = jax.nn.relu(dinv * (p_ref[0] + p_ref[1] + g_ref[...]) + b_ref[...])
    wt = we_ref[0:dh, :]
    wb = we_ref[dh:2 * dh, :]
    a_ref[...] = jnp.dot(h, wt - wb, preferred_element_type=jnp.float32) \
        + be_ref[...]
    bv_ref[...] = jnp.dot(h, wb, preferred_element_type=jnp.float32)


def _make_tc_mid(dh):
    @jax.jit
    def call(p, g, deg, We, be, b):
        return pl.pallas_call(
            functools.partial(_tc_mid_body, dh),
            out_shape=(
                jax.ShapeDtypeStruct((N, dh), jnp.float32),
                jax.ShapeDtypeStruct((N, dh), jnp.float32),
            ),
        )(p, g, deg, We, be, b)

    return call


_tc2 = _make_tc_mid(D_H)
_tc4 = _make_tc_mid(D_H2)


def _tc3_body(m_ref, a_ref, deg_ref, w2_ref, g_ref):
    m = m_ref[...]
    h2 = jnp.where(m == NEG, 0.0, jax.nn.relu(a_ref[...] + m))
    g_ref[...] = jnp.dot(h2, w2_ref[...],
                         preferred_element_type=jnp.float32) * _dinv(deg_ref)


@jax.jit
def _tc3(m1, a1, deg, W2):
    return pl.pallas_call(
        _tc3_body,
        out_shape=jax.ShapeDtypeStruct((N, D_H2), jnp.float32),
    )(m1, a1, deg, W2)


def _tc5_body(m_ref, a_ref, wfc_ref, bfc_ref, batch_ref, out_ref):
    m = m_ref[...]
    h4 = jnp.where(m == NEG, 0.0, jax.nn.relu(a_ref[...] + m))
    y = jnp.dot(h4, wfc_ref[...], preferred_element_type=jnp.float32) \
        + bfc_ref[...]
    gid = batch_ref[...]
    onehot = (gid == lax.broadcasted_iota(jnp.int32, (1, NG), 1))
    onehot = onehot.astype(jnp.float32)
    s = jnp.sum(onehot * y, axis=0)
    cnt = jnp.sum(onehot, axis=0)
    out_ref[...] = (s / jnp.maximum(cnt, 1.0))[:, None]


@jax.jit
def _tc5(m2, a2, Wfc, bfc, batch2d):
    return pl.pallas_call(
        _tc5_body,
        out_shape=jax.ShapeDtypeStruct((NG, 1), jnp.float32),
    )(m2, a2, Wfc, bfc, batch2d)


@jax.jit
def kernel(x, edge_index, adj, batch, W1, b1, We1, be1, W2, b2, We2, be2,
           Wfc, bfc):
    ei_src = edge_index[0]
    ei_dst = edge_index[1]
    ei_dst3 = ei_dst.reshape(NW, NCHUNK, CHUNK)
    aj_src = adj[0]
    aj_dst = adj[1]

    deg = _deg_call(ei_dst3)[:, :N]
    bsrc, bdst, bcnt = _bucket_call(aj_src, aj_dst)

    g1 = _tc1(x, W1, deg)
    p1 = _add_call_128(g1, ei_src, ei_dst)[:, :N]
    a1, bv1 = _tc2(p1, g1, deg, We1, be1, b1)

    tab1 = jnp.concatenate([bv1, jnp.full((1, D_H), NEG, jnp.float32)], 0)
    m1 = _max_call_128(tab1, bsrc, bdst, bcnt)[:N]

    g2 = _tc3(m1, a1, deg, W2)
    p2 = _add_call_32(g2, ei_src, ei_dst)[:, :N]
    a2, bv2 = _tc4(p2, g2, deg, We2, be2, b2)

    tab2 = jnp.concatenate([bv2, jnp.full((1, D_H2), NEG, jnp.float32)], 0)
    m2 = _max_call_32(tab2, bsrc, bdst, bcnt)[:N]

    return _tc5(m2, a2, Wfc, bfc, batch.reshape(N, 1))

# --- scband reference (transcript-rebuilt; emitter-appended) ---
"""Pipeline reference for scband-pair-rank-gnn2-8821862826086 (READ-ONLY COPY).

The authoritative reference and input builder live on the scoring server;
editing this copy changes nothing except your own understanding.
"""

import jax, jax.numpy as jnp
import numpy as np

N = 10000
E = 320000
NG = 64
D_IN = 128
D_H = 128
D_H2 = 32


def gcn_conv(x, edge_index, W, b):
    n = x.shape[0]
    src = jnp.concatenate([edge_index[0], jnp.arange(n, dtype=edge_index.dtype)])
    dst = jnp.concatenate([edge_index[1], jnp.arange(n, dtype=edge_index.dtype)])
    deg = jnp.zeros((n,), x.dtype).at[dst].add(1.0)
    dinv = jnp.where(deg > 0, deg ** -0.5, 0.0)
    norm = dinv[src] * dinv[dst]
    h = x @ W
    msg = h[src] * norm[:, None]
    out = jnp.zeros((n, W.shape[1]), x.dtype).at[dst].add(msg)
    return out + b


def edge_conv(x, adj, W, b):
    # EdgeConv: MLP([x_i, x_j - x_i]) with max aggregation over incoming edges
    n = x.shape[0]
    src, dst = adj[0], adj[1]
    feat = jnp.concatenate([x[dst], x[src] - x[dst]], axis=-1)
    msg = feat @ W + b
    neg = jnp.full((n, W.shape[1]), -jnp.inf, x.dtype)
    out = neg.at[dst].max(msg)
    return jnp.where(jnp.isinf(out), 0.0, out)


def global_mean_pool(x, batch, num_graphs):
    s = jax.ops.segment_sum(x, batch, num_segments=num_graphs)
    cnt = jax.ops.segment_sum(jnp.ones((x.shape[0],), x.dtype), batch, num_segments=num_graphs)
    return s / jnp.maximum(cnt, 1.0)[:, None]


def setup_inputs(seed: int = 0):
    key = jax.random.key(seed)
    ks = jax.random.split(key, 16)
    x = jax.random.normal(ks[0], (N, D_IN), jnp.float32)
    edge_index = jax.random.randint(ks[1], (2, E), 0, N, dtype=jnp.int32)
    adj = jax.random.randint(ks[2], (2, E), 0, N, dtype=jnp.int32)
    batch = jnp.sort(jax.random.randint(ks[3], (N,), 0, NG, dtype=jnp.int32))
    s = 0.05
    W1 = jax.random.normal(ks[4], (D_IN, D_H), jnp.float32) * s
    b1 = jnp.zeros((D_H,), jnp.float32)
    We1 = jax.random.normal(ks[5], (2 * D_H, D_H), jnp.float32) * s
    be1 = jnp.zeros((D_H,), jnp.float32)
    W2 = jax.random.normal(ks[6], (D_H, D_H2), jnp.float32) * s
    b2 = jnp.zeros((D_H2,), jnp.float32)
    We2 = jax.random.normal(ks[7], (2 * D_H2, D_H2), jnp.float32) * s
    be2 = jnp.zeros((D_H2,), jnp.float32)
    Wfc = jax.random.normal(ks[8], (D_H2, 1), jnp.float32) * s
    bfc = jnp.zeros((1,), jnp.float32)
    return {"x": x, "edge_index": edge_index, "adj": adj, "batch": batch,
            "W1": W1, "b1": b1, "We1": We1, "be1": be1,
            "W2": W2, "b2": b2, "We2": We2, "be2": be2,
            "Wfc": Wfc, "bfc": bfc}


def reference(x, edge_index, adj, batch, W1, b1, We1, be1, W2, b2, We2, be2, Wfc, bfc):
    h = gcn_conv(x, edge_index, W1, b1)
    h = jax.nn.relu(h)
    h = edge_conv(h, adj, We1, be1)
    h = jax.nn.relu(h)
    h = gcn_conv(h, edge_index, W2, b2)
    h = jax.nn.relu(h)
    h = edge_conv(h, adj, We2, be2)
    h = jax.nn.relu(h)
    h = h @ Wfc + bfc
    out = global_mean_pool(h, batch, NG)
    return out

if __name__ == "__main__":
    import jax
    _d = setup_inputs()
    print(jax.jit(kernel)(*tuple(_d.values())))

</pallas_src>

<mosaic_0001>
#map = affine_map<(d0, d1) -> (0, 0, 0)>
module attributes {stable_mosaic.version = 14 : i64} {
  func.func @_deg_body(%arg0: i32, %arg1: i32, %arg2: memref<32x125x80xi32, #tpu.memory_space<hbm>>, %arg3: memref<2x10240x16xf32, #tpu.memory_space<hbm>>, %arg4: memref<125x80xi32, #tpu.memory_space<vmem>>, %arg5: memref<80x16xf32, #tpu.memory_space<vmem>>, %arg6: memref<128x16xf32, #tpu.memory_space<vmem>>, %arg7: memref<10240x16xf32, #tpu.memory_space<vmem_shared>>, %arg8: memref<!tpu.dma_semaphore, #tpu.memory_space<semaphore_mem>>) attributes {dimension_semantics = [#tpu.dimension_semantics<core_parallel>, #tpu.dimension_semantics<subcore_parallel>], iteration_bounds = array<i64: 2, 16>, scalar_prefetch = 0 : i64, scratch_operands = 5 : i64, tpu.core_type = #tpu.core_type<sc_vector_subcore>, window_params = [{transform_indices = #map}, {transform_indices = #map}]} {
    %mul3A = arith.constant 2 : i32
    %mul3A_0 = arith.muli %arg1, %mul3A : i32
    %add3A = arith.addi %mul3A_0, %arg0 : i32
    %broadcast_in_dim3A = arith.constant 0.000000e+00 : f32
    %broadcast_in_dim3A_1 = vector.broadcast %broadcast_in_dim3A : f32 to vector<16xf32>
    %broadcast_in_dim3A_2 = arith.constant 1.000000e+00 : f32
    %broadcast_in_dim3A_3 = vector.broadcast %broadcast_in_dim3A_2 : f32 to vector<16xf32>
    %scan3A = arith.constant 0 : i32
    %scan3A_4 = arith.constant 128 : i32
    %scan3A_5 = arith.addi %scan3A, %scan3A_4 : i32
    %scan3A_6 = arith.constant 1 : i32
    scf.for %scan3A_59 = %scan3A to %scan3A_5 step %scan3A_6  : i32 {
      %mul3A_60 = arith.constant 1 : i32
      %mul3A_61 = arith.muli %scan3A_59, %mul3A_60 : i32
      %add3A_62 = arith.constant 0 : i32
      %add3A_63 = arith.addi %add3A_62, %mul3A_61 : i32
      %swap3A = arith.index_cast %add3A_63 : i32 to index
      %swap3A_64 = arith.constant 0 : index
      %swap3A_65 = tpu.vector_load %arg6[%swap3A, %swap3A_64] {strides = array<i32>} : memref<128x16xf32, #tpu.memory_space<vmem>>, vector<16xf32>,
      tpu.vector_store %arg6[%swap3A, %swap3A_64], %broadcast_in_dim3A_1 {strides = array<i32>} : memref<128x16xf32, #tpu.memory_space<vmem>>, vector<16xf32>,
    }
    %scan3A_7 = arith.constant 128 : i32
    %scan3A_8 = arith.constant 0 : i32
    %scan3A_9 = arith.constant 80 : i32
    %scan3A_10 = arith.addi %scan3A_8, %scan3A_9 : i32
    %scan3A_11 = arith.constant 1 : i32
    scf.for %scan3A_59 = %scan3A_8 to %scan3A_10 step %scan3A_11  : i32 {
      %mul3A_60 = arith.constant 1 : i32
      %mul3A_61 = arith.muli %scan3A_59, %mul3A_60 : i32
      %add3A_62 = arith.constant 0 : i32
      %add3A_63 = arith.addi %add3A_62, %mul3A_61 : i32
      %swap3A = arith.index_cast %add3A_63 : i32 to index
      %swap3A_64 = arith.constant 0 : index
      %swap3A_65 = tpu.vector_load %arg5[%swap3A, %swap3A_64] {strides = array<i32>} : memref<80x16xf32, #tpu.memory_space<vmem>>, vector<16xf32>,
      tpu.vector_store %arg5[%swap3A, %swap3A_64], %broadcast_in_dim3A_3 {strides = array<i32>} : memref<80x16xf32, #tpu.memory_space<vmem>>, vector<16xf32>,
    }
    %scan3A_12 = arith.constant 80 : i32
    "tpu.region"() ({
      %run_scoped3A = tpu.sem_alloc : memref<!tpu.dma_semaphore, #tpu.memory_space<semaphore_mem>>
      %dma_start3A = arith.constant 0 : i32
      %dma_start3A_59 = arith.constant 0 : i32
      %dma_start3A_60 = tpu.memref_slice %arg2[%add3A, %dma_start3A, %dma_start3A_59] : memref<32x125x80xi32, #tpu.memory_space<hbm>> -> memref<1x125x80xi32, #tpu.memory_space<hbm>>
      %dma_start3A_61 = tpu.memref_squeeze %dma_start3A_60 : memref<1x125x80xi32, #tpu.memory_space<hbm>> -> memref<125x80xi32, #tpu.memory_space<hbm>>
      %dma_start3A_62 = arith.constant 0 : i32
      %dma_start3A_63 = arith.constant 0 : i32
      %dma_start3A_64 = tpu.memref_slice %arg2[%add3A, %dma_start3A_62, %dma_start3A_63] : memref<32x125x80xi32, #tpu.memory_space<hbm>> -> memref<1x125x80xi32, #tpu.memory_space<hbm>>
      %dma_start3A_65 = tpu.memref_squeeze %dma_start3A_64 : memref<1x125x80xi32, #tpu.memory_space<hbm>> -> memref<125x80xi32, #tpu.memory_space<hbm>>
      tpu.enqueue_dma source(%dma_start3A_65 : memref<125x80xi32, #tpu.memory_space<hbm>>) target(%arg4 : memref<125x80xi32, #tpu.memory_space<vmem>>) target_semaphore(%run_scoped3A : memref<!tpu.dma_semaphore, #tpu.memory_space<semaphore_mem>>)
      %dma_wait3A = arith.constant 0 : i32
      %dma_wait3A_66 = arith.constant 0 : i32
      %dma_wait3A_67 = tpu.memref_slice %arg2[%add3A, %dma_wait3A, %dma_wait3A_66] : memref<32x125x80xi32, #tpu.memory_space<hbm>> -> memref<1x125x80xi32, #tpu.memory_space<hbm>>
      %dma_wait3A_68 = tpu.memref_squeeze %dma_wait3A_67 : memref<1x125x80xi32, #tpu.memory_space<hbm>> -> memref<125x80xi32, #tpu.memory_space<hbm>>
      %dma_wait3A_69 = arith.constant 0 : i32
      %dma_wait3A_70 = arith.constant 0 : i32
      %dma_wait3A_71 = tpu.memref_slice %arg2[%add3A, %dma_wait3A_69, %dma_wait3A_70] : memref<32x125x80xi32, #tpu.memory_space<hbm>> -> memref<1x125x80xi32, #tpu.memory_space<hbm>>
      %dma_wait3A_72 = tpu.memref_squeeze %dma_wait3A_71 : memref<1x125x80xi32, #tpu.memory_space<hbm>> -> memref<125x80xi32, #tpu.memory_space<hbm>>
      tpu.wait_dma2 semaphore(%run_scoped3A : memref<!tpu.dma_semaphore, #tpu.memory_space<semaphore_mem>>) src(%dma_wait3A_72 : memref<125x80xi32, #tpu.memory_space<hbm>>) dst(%arg4 : memref<125x80xi32, #tpu.memory_space<vmem>>)
      tpu.yield
    }) : () -> ()
    %mul3A_13 = arith.constant 640 : i32
    %mul3A_14 = arith.muli %arg1, %mul3A_13 : i32
    %add3A_15 = arith.constant 0 : i32
    %add3A_16 = arith.addi %mul3A_14, %add3A_15 : i32
    "tpu.region"() ({
      %run_scoped3A = tpu.sem_alloc : memref<!tpu.dma_semaphore, #tpu.memory_space<semaphore_mem>>
      %dma_start3A = arith.constant 0 : i32
      %dma_start3A_59 = tpu.memref_slice %arg7[%add3A_16, %dma_start3A] : memref<10240x16xf32, #tpu.memory_space<vmem_shared>> -> memref<128x16xf32, #tpu.memory_space<vmem_shared>>
      %dma_start3A_60 = arith.constant 0 : i32
      %dma_start3A_61 = tpu.memref_slice %arg7[%add3A_16, %dma_start3A_60] : memref<10240x16xf32, #tpu.memory_space<vmem_shared>> -> memref<128x16xf32, #tpu.memory_space<vmem_shared>>
      tpu.enqueue_dma source(%arg6 : memref<128x16xf32, #tpu.memory_space<vmem>>) target(%dma_start3A_61 : memref<128x16xf32, #tpu.memory_space<vmem_shared>>) target_semaphore(%run_scoped3A : memref<!tpu.dma_semaphore, #tpu.memory_space<semaphore_mem>>)
      %dma_wait3A = arith.constant 0 : i32
      %dma_wait3A_62 = tpu.memref_slice %arg7[%add3A_16, %dma_wait3A] : memref<10240x16xf32, #tpu.memory_space<vmem_shared>> -> memref<128x16xf32, #tpu.memory_space<vmem_shared>>
      %dma_wait3A_63 = arith.constant 0 : i32
      %dma_wait3A_64 = tpu.memref_slice %arg7[%add3A_16, %dma_wait3A_63] : memref<10240x16xf32, #tpu.memory_space<vmem_shared>> -> memref<128x16xf32, #tpu.memory_space<vmem_shared>>
      tpu.wait_dma2 semaphore(%run_scoped3A : memref<!tpu.dma_semaphore, #tpu.memory_space<semaphore_mem>>) src(%arg6 : memref<128x16xf32, #tpu.memory_space<vmem>>) dst(%dma_wait3A_64 : memref<128x16xf32, #tpu.memory_space<vmem_shared>>)
      tpu.yield
    }) : () -> ()
    %mul3A_17 = arith.constant 640 : i32
    %mul3A_18 = arith.muli %arg1, %mul3A_17 : i32
    %add3A_19 = arith.constant 128 : i32
    %add3A_20 = arith.addi %mul3A_18, %add3A_19 : i32
    "tpu.region"() ({
      %run_scoped3A = tpu.sem_alloc : memref<!tpu.dma_semaphore, #tpu.memory_space<semaphore_mem>>
      %dma_start3A = arith.constant 0 : i32
      %dma_start3A_59 = tpu.memref_slice %arg7[%add3A_20, %dma_start3A] : memref<10240x16xf32, #tpu.memory_space<vmem_shared>> -> memref<128x16xf32, #tpu.memory_space<vmem_shared>>
      %dma_start3A_60 = arith.constant 0 : i32
      %dma_start3A_61 = tpu.memref_slice %arg7[%add3A_20, %dma_start3A_60] : memref<10240x16xf32, #tpu.memory_space<vmem_shared>> -> memref<128x16xf32, #tpu.memory_space<vmem_shared>>
      tpu.enqueue_dma source(%arg6 : memref<128x16xf32, #tpu.memory_space<vmem>>) target(%dma_start3A_61 : memref<128x16xf32, #tpu.memory_space<vmem_shared>>) target_semaphore(%run_scoped3A : memref<!tpu.dma_semaphore, #tpu.memory_space<semaphore_mem>>)
      %dma_wait3A = arith.constant 0 : i32
      %dma_wait3A_62 = tpu.memref_slice %arg7[%add3A_20, %dma_wait3A] : memref<10240x16xf32, #tpu.memory_space<vmem_shared>> -> memref<128x16xf32, #tpu.memory_space<vmem_shared>>
      %dma_wait3A_63 = arith.constant 0 : i32
      %dma_wait3A_64 = tpu.memref_slice %arg7[%add3A_20, %dma_wait3A_63] : memref<10240x16xf32, #tpu.memory_space<vmem_shared>> -> memref<128x16xf32, #tpu.memory_space<vmem_shared>>
      tpu.wait_dma2 semaphore(%run_scoped3A : memref<!tpu.dma_semaphore, #tpu.memory_space<semaphore_mem>>) src(%arg6 : memref<128x16xf32, #tpu.memory_space<vmem>>) dst(%dma_wait3A_64 : memref<128x16xf32, #tpu.memory_space<vmem_shared>>)
      tpu.yield
    }) : () -> ()
    %mul3A_21 = arith.constant 640 : i32
    %mul3A_22 = arith.muli %arg1, %mul3A_21 : i32
    %add3A_23 = arith.constant 256 : i32
    %add3A_24 = arith.addi %mul3A_22, %add3A_23 : i32
    "tpu.region"() ({
      %run_scoped3A = tpu.sem_alloc : memref<!tpu.dma_semaphore, #tpu.memory_space<semaphore_mem>>
      %dma_start3A = arith.constant 0 : i32
      %dma_start3A_59 = tpu.memref_slice %arg7[%add3A_24, %dma_start3A] : memref<10240x16xf32, #tpu.memory_space<vmem_shared>> -> memref<128x16xf32, #tpu.memory_space<vmem_shared>>
      %dma_start3A_60 = arith.constant 0 : i32
      %dma_start3A_61 = tpu.memref_slice %arg7[%add3A_24, %dma_start3A_60] : memref<10240x16xf32, #tpu.memory_space<vmem_shared>> -> memref<128x16xf32, #tpu.memory_space<vmem_shared>>
      tpu.enqueue_dma source(%arg6 : memref<128x16xf32, #tpu.memory_space<vmem>>) target(%dma_start3A_61 : memref<128x16xf32, #tpu.memory_space<vmem_shared>>) target_semaphore(%run_scoped3A : memref<!tpu.dma_semaphore, #tpu.memory_space<semaphore_mem>>)
      %dma_wait3A = arith.constant 0 : i32
      %dma_wait3A_62 = tpu.memref_slice %arg7[%add3A_24, %dma_wait3A] : memref<10240x16xf32, #tpu.memory_space<vmem_shared>> -> memref<128x16xf32, #tpu.memory_space<vmem_shared>>
      %dma_wait3A_63 = arith.constant 0 : i32
      %dma_wait3A_64 = tpu.memref_slice %arg7[%add3A_24, %dma_wait3A_63] : memref<10240x16xf32, #tpu.memory_space<vmem_shared>> -> memref<128x16xf32, #tpu.memory_space<vmem_shared>>
      tpu.wait_dma2 semaphore(%run_scoped3A : memref<!tpu.dma_semaphore, #tpu.memory_space<semaphore_mem>>) src(%arg6 : memref<128x16xf32, #tpu.memory_space<vmem>>) dst(%dma_wait3A_64 : memref<128x16xf32, #tpu.memory_space<vmem_shared>>)
      tpu.yield
    }) : () -> ()
    %mul3A_25 = arith.constant 640 : i32
    %mul3A_26 = arith.muli %arg1, %mul3A_25 : i32
    %add3A_27 = arith.constant 384 : i32
    %add3A_28 = arith.addi %mul3A_26, %add3A_27 : i32
    "tpu.region"() ({
      %run_scoped3A = tpu.sem_alloc : memref<!tpu.dma_semaphore, #tpu.memory_space<semaphore_mem>>
      %dma_start3A = arith.constant 0 : i32
      %dma_start3A_59 = tpu.memref_slice %arg7[%add3A_28, %dma_start3A] : memref<10240x16xf32, #tpu.memory_space<vmem_shared>> -> memref<128x16xf32, #tpu.memory_space<vmem_shared>>
      %dma_start3A_60 = arith.constant 0 : i32
      %dma_start3A_61 = tpu.memref_slice %arg7[%add3A_28, %dma_start3A_60] : memref<10240x16xf32, #tpu.memory_space<vmem_shared>> -> memref<128x16xf32, #tpu.memory_space<vmem_shared>>
      tpu.enqueue_dma source(%arg6 : memref<128x16xf32, #tpu.memory_space<vmem>>) target(%dma_start3A_61 : memref<128x16xf32, #tpu.memory_space<vmem_shared>>) target_semaphore(%run_scoped3A : memref<!tpu.dma_semaphore, #tpu.memory_space<semaphore_mem>>)
      %dma_wait3A = arith.constant 0 : i32
      %dma_wait3A_62 = tpu.memref_slice %arg7[%add3A_28, %dma_wait3A] : memref<10240x16xf32, #tpu.memory_space<vmem_shared>> -> memref<128x16xf32, #tpu.memory_space<vmem_shared>>
      %dma_wait3A_63 = arith.constant 0 : i32
      %dma_wait3A_64 = tpu.memref_slice %arg7[%add3A_28, %dma_wait3A_63] : memref<10240x16xf32, #tpu.memory_space<vmem_shared>> -> memref<128x16xf32, #tpu.memory_space<vmem_shared>>
      tpu.wait_dma2 semaphore(%run_scoped3A : memref<!tpu.dma_semaphore, #tpu.memory_space<semaphore_mem>>) src(%arg6 : memref<128x16xf32, #tpu.memory_space<vmem>>) dst(%dma_wait3A_64 : memref<128x16xf32, #tpu.memory_space<vmem_shared>>)
      tpu.yield
    }) : () -> ()
    %mul3A_29 = arith.constant 640 : i32
    %mul3A_30 = arith.muli %arg1, %mul3A_29 : i32
    %add3A_31 = arith.constant 512 : i32
    %add3A_32 = arith.addi %mul3A_30, %add3A_31 : i32
    "tpu.region"() ({
      %run_scoped3A = tpu.sem_alloc : memref<!tpu.dma_semaphore, #tpu.memory_space<semaphore_mem>>
      %dma_start3A = arith.constant 0 : i32
      %dma_start3A_59 = tpu.memref_slice %arg7[%add3A_32, %dma_start3A] : memref<10240x16xf32, #tpu.memory_space<vmem_shared>> -> memref<128x16xf32, #tpu.memory_space<vmem_shared>>
      %dma_start3A_60 = arith.constant 0 : i32
      %dma_start3A_61 = tpu.memref_slice %arg7[%add3A_32, %dma_start3A_60] : memref<10240x16xf32, #tpu.memory_space<vmem_shared>> -> memref<128x16xf32, #tpu.memory_space<vmem_shared>>
      tpu.enqueue_dma source(%arg6 : memref<128x16xf32, #tpu.memory_space<vmem>>) target(%dma_start3A_61 : memref<128x16xf32, #tpu.memory_space<vmem_shared>>) target_semaphore(%run_scoped3A : memref<!tpu.dma_semaphore, #tpu.memory_space<semaphore_mem>>)
      %dma_wait3A = arith.constant 0 : i32
      %dma_wait3A_62 = tpu.memref_slice %arg7[%add3A_32, %dma_wait3A] : memref<10240x16xf32, #tpu.memory_space<vmem_shared>> -> memref<128x16xf32, #tpu.memory_space<vmem_shared>>
      %dma_wait3A_63 = arith.constant 0 : i32
      %dma_wait3A_64 = tpu.memref_slice %arg7[%add3A_32, %dma_wait3A_63] : memref<10240x16xf32, #tpu.memory_space<vmem_shared>> -> memref<128x16xf32, #tpu.memory_space<vmem_shared>>
      tpu.wait_dma2 semaphore(%run_scoped3A : memref<!tpu.dma_semaphore, #tpu.memory_space<semaphore_mem>>) src(%arg6 : memref<128x16xf32, #tpu.memory_space<vmem>>) dst(%dma_wait3A_64 : memref<128x16xf32, #tpu.memory_space<vmem_shared>>)
      tpu.yield
    }) : () -> ()
    %barrier3A = arith.constant 0 : index
    tpu.barrier barrier_id(%barrier3A)
    %scan3A_33 = arith.constant 0 : i32
    %scan3A_34 = arith.constant 5 : i32
    %scan3A_35 = arith.addi %scan3A_33, %scan3A_34 : i32
    %scan3A_36 = arith.constant 1 : i32
    scf.for %scan3A_59 = %scan3A_33 to %scan3A_35 step %scan3A_36  : i32 {
      %mul3A_60 = arith.constant 1 : i32
      %mul3A_61 = arith.muli %scan3A_59, %mul3A_60 : i32
      %add3A_62 = arith.constant 0 : i32
      %add3A_63 = arith.addi %add3A_62, %mul3A_61 : i32
      %scan3A_64 = arith.constant 0 : i32
      %scan3A_65 = arith.constant 25 : i32
      %scan3A_66 = arith.addi %scan3A_64, %scan3A_65 : i32
      %scan3A_67 = arith.constant 1 : i32
      scf.for %scan3A_74 = %scan3A_64 to %scan3A_66 step %scan3A_67  : i32 {
        %mul3A_75 = arith.constant 1 : i32
        %mul3A_76 = arith.muli %scan3A_74, %mul3A_75 : i32
        %add3A_77 = arith.constant 0 : i32
        %add3A_78 = arith.addi %add3A_77, %mul3A_76 : i32
        %mul3A_79 = arith.constant 25 : i32
        %mul3A_80 = arith.muli %add3A_63, %mul3A_79 : i32
        %add3A_81 = arith.addi %mul3A_80, %add3A_78 : i32
        %dma_start3A = arith.constant 0 : i32
        %dma_start3A_82 = tpu.memref_slice %arg4[%add3A_81, %dma_start3A] : memref<125x80xi32, #tpu.memory_space<vmem>> -> memref<1x80xi32, #tpu.memory_space<vmem>>
        %dma_start3A_83 = tpu.memref_squeeze %dma_start3A_82 : memref<1x80xi32, #tpu.memory_space<vmem>> -> memref<80xi32, #tpu.memory_space<vmem>>
        %dma_start3A_84 = arith.constant 0 : i32
        %dma_start3A_85 = arith.constant 0 : i32
        %dma_start3A_86 = tpu.memref_slice %arg7[%dma_start3A_84, %dma_start3A_85] : memref<10240x16xf32, #tpu.memory_space<vmem_shared>> -> memref<10240x16xf32, #tpu.memory_space<vmem_shared>>
        tpu.enqueue_indirect_dma source(%arg5 : memref<80x16xf32, #tpu.memory_space<vmem>>) target(%dma_start3A_86 : memref<10240x16xf32, #tpu.memory_space<vmem_shared>>) offsets(%dma_start3A_83 : memref<80xi32, #tpu.memory_space<vmem>>) semaphore(%arg8 : memref<!tpu.dma_semaphore, #tpu.memory_space<semaphore_mem>>) {add = true}
      }
      %scan3A_68 = arith.constant 25 : i32
      %scan3A_69 = arith.constant 0 : i32
      %scan3A_70 = arith.constant 25 : i32
      %scan3A_71 = arith.addi %scan3A_69, %scan3A_70 : i32
      %scan3A_72 = arith.constant 1 : i32
      scf.for %scan3A_74 = %scan3A_69 to %scan3A_71 step %scan3A_72  : i32 {
        %mul3A_75 = arith.constant 1 : i32
        %mul3A_76 = arith.muli %scan3A_74, %mul3A_75 : i32
        %add3A_77 = arith.constant 0 : i32
        %add3A_78 = arith.addi %add3A_77, %mul3A_76 : i32
        %mul3A_79 = arith.constant 25 : i32
        %mul3A_80 = arith.muli %add3A_63, %mul3A_79 : i32
        %add3A_81 = arith.addi %mul3A_80, %add3A_78 : i32
        %dma_wait3A = arith.constant 0 : i32
        %dma_wait3A_82 = tpu.memref_slice %arg4[%add3A_81, %dma_wait3A] : memref<125x80xi32, #tpu.memory_space<vmem>> -> memref<1x80xi32, #tpu.memory_space<vmem>>
        %dma_wait3A_83 = tpu.memref_squeeze %dma_wait3A_82 : memref<1x80xi32, #tpu.memory_space<vmem>> -> memref<80xi32, #tpu.memory_space<vmem>>
        %dma_wait3A_84 = arith.constant 0 : i32
        %dma_wait3A_85 = arith.constant 0 : i32
        %dma_wait3A_86 = tpu.memref_slice %arg7[%dma_wait3A_84, %dma_wait3A_85] : memref<10240x16xf32, #tpu.memory_space<vmem_shared>> -> memref<10240x16xf32, #tpu.memory_space<vmem_shared>>
        tpu.wait_indirect_dma semaphore(%arg8 : memref<!tpu.dma_semaphore, #tpu.memory_space<semaphore_mem>>) src(%arg5 : memref<80x16xf32, #tpu.memory_space<vmem>>) dst(%dma_wait3A_86 : memref<10240x16xf32, #tpu.memory_space<vmem_shared>>)
      }
      %scan3A_73 = arith.constant 25 : i32
    }
    %scan3A_37 = arith.constant 5 : i32
    %barrier3A_38 = arith.constant 0 : index
    tpu.barrier barrier_id(%barrier3A_38)
    %mul3A_39 = arith.constant 640 : i32
    %mul3A_40 = arith.muli %arg1, %mul3A_39 : i32
    %add3A_41 = arith.constant 0 : i32
    %add3A_42 = arith.addi %mul3A_40, %add3A_41 : i32
    "tpu.region"() ({
      %run_scoped3A = tpu.sem_alloc : memref<!tpu.dma_semaphore, #tpu.memory_space<semaphore_mem>>
      %dma_start3A = arith.constant 0 : i32
      %dma_start3A_59 = tpu.memref_slice %arg3[%arg0, %add3A_42, %dma_start3A] : memref<2x10240x16xf32, #tpu.memory_space<hbm>> -> memref<1x128x16xf32, #tpu.memory_space<hbm>>
      %dma_start3A_60 = tpu.memref_squeeze %dma_start3A_59 : memref<1x128x16xf32, #tpu.memory_space<hbm>> -> memref<128x16xf32, #tpu.memory_space<hbm>>
      %dma_start3A_61 = arith.constant 0 : i32
      %dma_start3A_62 = tpu.memref_slice %arg7[%add3A_42, %dma_start3A_61] : memref<10240x16xf32, #tpu.memory_space<vmem_shared>> -> memref<128x16xf32, #tpu.memory_space<vmem_shared>>
      tpu.enqueue_dma source(%dma_start3A_62 : memref<128x16xf32, #tpu.memory_space<vmem_shared>>) target(%dma_start3A_60 : memref<128x16xf32, #tpu.memory_space<hbm>>) target_semaphore(%run_scoped3A : memref<!tpu.dma_semaphore, #tpu.memory_space<semaphore_mem>>)
      %dma_wait3A = arith.constant 0 : i32
      %dma_wait3A_63 = tpu.memref_slice %arg3[%arg0, %add3A_42, %dma_wait3A] : memref<2x10240x16xf32, #tpu.memory_space<hbm>> -> memref<1x128x16xf32, #tpu.memory_space<hbm>>
      %dma_wait3A_64 = tpu.memref_squeeze %dma_wait3A_63 : memref<1x128x16xf32, #tpu.memory_space<hbm>> -> memref<128x16xf32, #tpu.memory_space<hbm>>
      %dma_wait3A_65 = arith.constant 0 : i32
      %dma_wait3A_66 = tpu.memref_slice %arg7[%add3A_42, %dma_wait3A_65] : memref<10240x16xf32, #tpu.memory_space<vmem_shared>> -> memref<128x16xf32, #tpu.memory_space<vmem_shared>>
      tpu.wait_dma2 semaphore(%run_scoped3A : memref<!tpu.dma_semaphore, #tpu.memory_space<semaphore_mem>>) src(%dma_wait3A_66 : memref<128x16xf32, #tpu.memory_space<vmem_shared>>) dst(%dma_wait3A_64 : memref<128x16xf32, #tpu.memory_space<hbm>>)
      tpu.yield
    }) : () -> ()
    %mul3A_43 = arith.constant 640 : i32
    %mul3A_44 = arith.muli %arg1, %mul3A_43 : i32
    %add3A_45 = arith.constant 128 : i32
    %add3A_46 = arith.addi %mul3A_44, %add3A_45 : i32
    "tpu.region"() ({
      %run_scoped3A = tpu.sem_alloc : memref<!tpu.dma_semaphore, #tpu.memory_space<semaphore_mem>>
      %dma_start3A = arith.constant 0 : i32
      %dma_start3A_59 = tpu.memref_slice %arg3[%arg0, %add3A_46, %dma_start3A] : memref<2x10240x16xf32, #tpu.memory_space<hbm>> -> memref<1x128x16xf32, #tpu.memory_space<hbm>>
      %dma_start3A_60 = tpu.memref_squeeze %dma_start3A_59 : memref<1x128x16xf32, #tpu.memory_space<hbm>> -> memref<128x16xf32, #tpu.memory_space<hbm>>
      %dma_start3A_61 = arith.constant 0 : i32
      %dma_start3A_62 = tpu.memref_slice %arg7[%add3A_46, %dma_start3A_61] : memref<10240x16xf32, #tpu.memory_space<vmem_shared>> -> memref<128x16xf32, #tpu.memory_space<vmem_shared>>
      tpu.enqueue_dma source(%dma_start3A_62 : memref<128x16xf32, #tpu.memory_space<vmem_shared>>) target(%dma_start3A_60 : memref<128x16xf32, #tpu.memory_space<hbm>>) target_semaphore(%run_scoped3A : memref<!tpu.dma_semaphore, #tpu.memory_space<semaphore_mem>>)
      %dma_wait3A = arith.constant 0 : i32
      %dma_wait3A_63 = tpu.memref_slice %arg3[%arg0, %add3A_46, %dma_wait3A] : memref<2x10240x16xf32, #tpu.memory_space<hbm>> -> memref<1x128x16xf32, #tpu.memory_space<hbm>>
      %dma_wait3A_64 = tpu.memref_squeeze %dma_wait3A_63 : memref<1x128x16xf32, #tpu.memory_space<hbm>> -> memref<128x16xf32, #tpu.memory_space<hbm>>
      %dma_wait3A_65 = arith.constant 0 : i32
      %dma_wait3A_66 = tpu.memref_slice %arg7[%add3A_46, %dma_wait3A_65] : memref<10240x16xf32, #tpu.memory_space<vmem_shared>> -> memref<128x16xf32, #tpu.memory_space<vmem_shared>>
      tpu.wait_dma2 semaphore(%run_scoped3A : memref<!tpu.dma_semaphore, #tpu.memory_space<semaphore_mem>>) src(%dma_wait3A_66 : memref<128x16xf32, #tpu.memory_space<vmem_shared>>) dst(%dma_wait3A_64 : memref<128x16xf32, #tpu.memory_space<hbm>>)
      tpu.yield
    }) : () -> ()
    %mul3A_47 = arith.constant 640 : i32
    %mul3A_48 = arith.muli %arg1, %mul3A_47 : i32
    %add3A_49 = arith.constant 256 : i32
    %add3A_50 = arith.addi %mul3A_48, %add3A_49 : i32
    "tpu.region"() ({
      %run_scoped3A = tpu.sem_alloc : memref<!tpu.dma_semaphore, #tpu.memory_space<semaphore_mem>>
      %dma_start3A = arith.constant 0 : i32
      %dma_start3A_59 = tpu.memref_slice %arg3[%arg0, %add3A_50, %dma_start3A] : memref<2x10240x16xf32, #tpu.memory_space<hbm>> -> memref<1x128x16xf32, #tpu.memory_space<hbm>>
      %dma_start3A_60 = tpu.memref_squeeze %dma_start3A_59 : memref<1x128x16xf32, #tpu.memory_space<hbm>> -> memref<128x16xf32, #tpu.memory_space<hbm>>
      %dma_start3A_61 = arith.constant 0 : i32
      %dma_start3A_62 = tpu.memref_slice %arg7[%add3A_50, %dma_start3A_61] : memref<10240x16xf32, #tpu.memory_space<vmem_shared>> -> memref<128x16xf32, #tpu.memory_space<vmem_shared>>
      tpu.enqueue_dma source(%dma_start3A_62 : memref<128x16xf32, #tpu.memory_space<vmem_shared>>) target(%dma_start3A_60 : memref<128x16xf32, #tpu.memory_space<hbm>>) target_semaphore(%run_scoped3A : memref<!tpu.dma_semaphore, #tpu.memory_space<semaphore_mem>>)
      %dma_wait3A = arith.constant 0 : i32
      %dma_wait3A_63 = tpu.memref_slice %arg3[%arg0, %add3A_50, %dma_wait3A] : memref<2x10240x16xf32, #tpu.memory_space<hbm>> -> memref<1x128x16xf32, #tpu.memory_space<hbm>>
      %dma_wait3A_64 = tpu.memref_squeeze %dma_wait3A_63 : memref<1x128x16xf32, #tpu.memory_space<hbm>> -> memref<128x16xf32, #tpu.memory_space<hbm>>
      %dma_wait3A_65 = arith.constant 0 : i32
      %dma_wait3A_66 = tpu.memref_slice %arg7[%add3A_50, %dma_wait3A_65] : memref<10240x16xf32, #tpu.memory_space<vmem_shared>> -> memref<128x16xf32, #tpu.memory_space<vmem_shared>>
      tpu.wait_dma2 semaphore(%run_scoped3A : memref<!tpu.dma_semaphore, #tpu.memory_space<semaphore_mem>>) src(%dma_wait3A_66 : memref<128x16xf32, #tpu.memory_space<vmem_shared>>) dst(%dma_wait3A_64 : memref<128x16xf32, #tpu.memory_space<hbm>>)
      tpu.yield
    }) : () -> ()
    %mul3A_51 = arith.constant 640 : i32
    %mul3A_52 = arith.muli %arg1, %mul3A_51 : i32
    %add3A_53 = arith.constant 384 : i32
    %add3A_54 = arith.addi %mul3A_52, %add3A_53 : i32
    "tpu.region"() ({
      %run_scoped3A = tpu.sem_alloc : memref<!tpu.dma_semaphore, #tpu.memory_space<semaphore_mem>>
      %dma_start3A = arith.constant 0 : i32
      %dma_start3A_59 = tpu.memref_slice %arg3[%arg0, %add3A_54, %dma_start3A] : memref<2x10240x16xf32, #tpu.memory_space<hbm>> -> memref<1x128x16xf32, #tpu.memory_space<hbm>>
      %dma_start3A_60 = tpu.memref_squeeze %dma_start3A_59 : memref<1x128x16xf32, #tpu.memory_space<hbm>> -> memref<128x16xf32, #tpu.memory_space<hbm>>
      %dma_start3A_61 = arith.constant 0 : i32
      %dma_start3A_62 = tpu.memref_slice %arg7[%add3A_54, %dma_start3A_61] : memref<10240x16xf32, #tpu.memory_space<vmem_shared>> -> memref<128x16xf32, #tpu.memory_space<vmem_shared>>
      tpu.enqueue_dma source(%dma_start3A_62 : memref<128x16xf32, #tpu.memory_space<vmem_shared>>) target(%dma_start3A_60 : memref<128x16xf32, #tpu.memory_space<hbm>>) target_semaphore(%run_scoped3A : memref<!tpu.dma_semaphore, #tpu.memory_space<semaphore_mem>>)
      %dma_wait3A = arith.constant 0 : i32
      %dma_wait3A_63 = tpu.memref_slice %arg3[%arg0, %add3A_54, %dma_wait3A] : memref<2x10240x16xf32, #tpu.memory_space<hbm>> -> memref<1x128x16xf32, #tpu.memory_space<hbm>>
      %dma_wait3A_64 = tpu.memref_squeeze %dma_wait3A_63 : memref<1x128x16xf32, #tpu.memory_space<hbm>> -> memref<128x16xf32, #tpu.memory_space<hbm>>
      %dma_wait3A_65 = arith.constant 0 : i32
      %dma_wait3A_66 = tpu.memref_slice %arg7[%add3A_54, %dma_wait3A_65] : memref<10240x16xf32, #tpu.memory_space<vmem_shared>> -> memref<128x16xf32, #tpu.memory_space<vmem_shared>>
      tpu.wait_dma2 semaphore(%run_scoped3A : memref<!tpu.dma_semaphore, #tpu.memory_space<semaphore_mem>>) src(%dma_wait3A_66 : memref<128x16xf32, #tpu.memory_space<vmem_shared>>) dst(%dma_wait3A_64 : memref<128x16xf32, #tpu.memory_space<hbm>>)
      tpu.yield
    }) : () -> ()
    %mul3A_55 = arith.constant 640 : i32
    %mul3A_56 = arith.muli %arg1, %mul3A_55 : i32
    %add3A_57 = arith.constant 512 : i32
    %add3A_58 = arith.addi %mul3A_56, %add3A_57 : i32
    "tpu.region"() ({
      %run_scoped3A = tpu.sem_alloc : memref<!tpu.dma_semaphore, #tpu.memory_space<semaphore_mem>>
      %dma_start3A = arith.constant 0 : i32
      %dma_start3A_59 = tpu.memref_slice %arg3[%arg0, %add3A_58, %dma_start3A] : memref<2x10240x16xf32, #tpu.memory_space<hbm>> -> memref<1x128x16xf32, #tpu.memory_space<hbm>>
      %dma_start3A_60 = tpu.memref_squeeze %dma_start3A_59 : memref<1x128x16xf32, #tpu.memory_space<hbm>> -> memref<128x16xf32, #tpu.memory_space<hbm>>
      %dma_start3A_61 = arith.constant 0 : i32
      %dma_start3A_62 = tpu.memref_slice %arg7[%add3A_58, %dma_start3A_61] : memref<10240x16xf32, #tpu.memory_space<vmem_shared>> -> memref<128x16xf32, #tpu.memory_space<vmem_shared>>
      tpu.enqueue_dma source(%dma_start3A_62 : memref<128x16xf32, #tpu.memory_space<vmem_shared>>) target(%dma_start3A_60 : memref<128x16xf32, #tpu.memory_space<hbm>>) target_semaphore(%run_scoped3A : memref<!tpu.dma_semaphore, #tpu.memory_space<semaphore_mem>>)
      %dma_wait3A = arith.constant 0 : i32
      %dma_wait3A_63 = tpu.memref_slice %arg3[%arg0, %add3A_58, %dma_wait3A] : memref<2x10240x16xf32, #tpu.memory_space<hbm>> -> memref<1x128x16xf32, #tpu.memory_space<hbm>>
      %dma_wait3A_64 = tpu.memref_squeeze %dma_wait3A_63 : memref<1x128x16xf32, #tpu.memory_space<hbm>> -> memref<128x16xf32, #tpu.memory_space<hbm>>
      %dma_wait3A_65 = arith.constant 0 : i32
      %dma_wait3A_66 = tpu.memref_slice %arg7[%add3A_58, %dma_wait3A_65] : memref<10240x16xf32, #tpu.memory_space<vmem_shared>> -> memref<128x16xf32, #tpu.memory_space<vmem_shared>>
      tpu.wait_dma2 semaphore(%run_scoped3A : memref<!tpu.dma_semaphore, #tpu.memory_space<semaphore_mem>>) src(%dma_wait3A_66 : memref<128x16xf32, #tpu.memory_space<vmem_shared>>) dst(%dma_wait3A_64 : memref<128x16xf32, #tpu.memory_space<hbm>>)
      tpu.yield
    }) : () -> ()
    return
  }
}

</mosaic_0001>

<sc_bundles>
// kernel: _deg_call.3.cloned.1.call-start
scs
__scs_entry_jumppad:
0x0: {  	(pc) =	sbr.rel $0x88, $3  }
0x1: {  	(tag) =	ssettag $0x0;
	lr =	simm.s32 $0x1  }
0x2: {  	[smem:$0x3FA0] =	sst lr;
	_ =	strace $0xD0000000  }
0x3: {  	_ = 	snop  }
0x4: {  	_ = 	snop  }
0x5: {  	_ = 	snop  }
0x6: {  	_ = 	snop  }
0x7: {  	_ = 	snop  }
__scs_overlays_trampoline_lowered:
0x8: {  	[smem:$0x3FAF] =	sst s0  }
0x9: {  	[smem:$0x3FB0] =	sst s1  }
0xa: {  	[smem:$0x3FB1] =	sst s2  }
0xb: {  	[smem:$0x3FB2] =	sst s3  }
0xc: {  	[smem:$0x3FB3] =	sst s4  }
0xd: {  	[smem:$0x3FB4] =	sst s5  }
0xe: {  	[smem:$0x3FB5] =	sst s6  }
0xf: {  	[smem:$0x3FB6] =	sst s7  }
0x10: {  	[smem:$0x3FB7] =	sst s8  }
0x11: {  	[smem:$0x3FB8] =	sst s9;
	s0 =	simm.s32 @!p0 $0x0  }
0x12: {  	s1 =	sld [smem:$0x3F9E];
	s0 =	simm.s32 @p0 $0x1  }
0x13: {  	[smem:$0x3FB9] =	sst s0;
	s0 =	simm.s32 @!p1 $0x0  }
0x14: {  	s2 =	sld [smem:$0x3F9D];
	s0 =	simm.s32 @p1 $0x1  }
0x15: {  	[smem:$0x3FBA] =	sst s0;
	s0 =	simm.s32 @!p2 $0x0  }
0x16: {  	s3 =	sld [smem:$0x3FDB];
	s0 =	simm.s32 @p2 $0x1  }
0x17: {  	s4 =	simm.s32 $0x1BF5;
	[smem:$0x3FBC] =	sst s0  }
0x18: {  	s0 =	sld [smem:$0x3F9F];
	_ =	swait.ge [sflag:s4], $0x0  }
0x19: {  	s7 =	sld [smem:$0x3FA0]  }
0x1a: {  	s8 =	sadd.s32 $0xFFFFE003, lr  }
0x1b: {  	s9 =	sadd.s32 $0xFFFFFEF7, lr;
	s5 =	simm.s32 $0xFFFFFFFF;
	p2 =	slt.u32 s8, $0xFFFFF086  }
0x1c: {  	p1 =	slt.u32 s9, $0xF7A;
	s5 =	simm.s32 @!p2 $0x0  }
0x1d: {  	s5 =	simm.s32 @p1 $0x1;
	p0 =	seq.s32 s7, s2  }
0x1e: {  	s7 =	smul.u32 @!p0 $0xF7A, s2;
	p2 =	seq.s32 @!p0 s5, $0x0  }
0x1f: {  	s9 =	smul.u32 $0xF7A, s1;
	s8 =	simm.s32 @!p0 $0x1BF5;
	p2 =	por !p2, p0  }
0x20: {  	[sflag:s8] =	ssyncset.s32 @!p0 $0xFFFFF086;
	s6 =	sadd.s32 @!p0 s3, s7;
	s7 =	simm.s32 @!p0 $0x108  }
0x21: {  	s3 =	sadd.s32 s3, s9;
	s6 =	sadd.s32 @!p0 $0x88, s6;
	s7 =	simm.s32 @p2 $0x1082  }
0x22: {  	[simem:s7], [sflag:s8] =	dma.local @!p0 [hbm:s6], $0xF7A  }
0x23: {  	s9 =	sor.u32 $0xD0000000, s2;
	s6 =	simm.s32 $0x108;
	_ =	swait.ge @!p0 [sflag:s8], $0x0  }
0x24: {  	s3 =	sadd.s32 $0x88, s3;
	s6 =	simm.s32 @!p1 $0x1082;
	[sflag:s4] =	ssyncset.s32 $0xFFFFF086  }
0x25: {  	[simem:s6], [sflag:s4] =	dma.local [hbm:s3], $0xF7A  }
0x26: {  	[smem:$0x3FA0] =	sst s1;
	(tag) =	ssettag s2;
	_ =	strace s9  }
0x27: {  	s1 =	sld [smem:$0x3FB0]  }
0x28: {  	s2 =	sld [smem:$0x3FB1]  }
0x29: {  	s4 =	sld [smem:$0x3FB3]  }
0x2a: {  	p0 =	seq.s32 s5, $0x0;
	s5 =	sld [smem:$0x3FB4]  }
0x2b: {  	s6 =	sld [smem:$0x3FB5]  }
0x2c: {  	s7 =	sld [smem:$0x3FB6]  }
0x2d: {  	s3 =	simm.s32 $0x108;
	s8 =	sld [smem:$0x3FB7]  }
0x2e: {  	s3 =	simm.s32 @!p0 $0x1082;
	s9 =	sld [smem:$0x3FB8]  }
0x2f: {  	lr =	sadd.s32 s0, s3;
	s0 =	sld [smem:$0x3FAF]  }
0x30: {  	s3 =	sld [smem:$0x3FB2]  }
0x31: {  	[smem:$0x3FBB] =	sst s10  }
0x32: {  	s10 =	sld [smem:$0x3FB9];
	_ =	sdelay $0x3  }
0x33: {  	p0 =	seq.s32 s10, $0x1;
	s10 =	sld [smem:$0x3FBB];
	_ =	sdelay $0x3  }
0x34: {  	[smem:$0x3FBB] =	sst s10  }
0x35: {  	s10 =	sld [smem:$0x3FBA];
	_ =	sdelay $0x3  }
0x36: {  	p1 =	seq.s32 s10, $0x1;
	s10 =	sld [smem:$0x3FBB];
	_ =	sdelay $0x3  }
0x37: {  	[smem:$0x3FBB] =	sst s10  }
0x38: {  	s10 =	sld [smem:$0x3FBC]  }
0x39: {  	_ = 	snop;
	(pc) =	sbr.ind lr, $3  }
0x3a: {  	_ = 	snop  }
0x3b: {  	_ = 	snop  }
0x3c: {  	p2 =	seq.s32 s10, $0x1;
	s10 =	sld [smem:$0x3FBB]  }
0x3d: {  	_ =	shalt  }
0x3e: {  	_ =	shalt  }
0x3f: {  	_ =	shalt  }
0x40: {  	_ =	shalt  }
0x41: {  	_ =	shalt  }
0x42: {  	_ =	shalt  }
0x43: {  	_ =	shalt  }
0x44: {  	_ =	shalt  }
0x45: {  	_ =	shalt  }
0x46: {  	_ =	shalt  }
0x47: {  	_ =	shalt  }
0x48: {  	_ =	shalt  }
0x49: {  	_ =	shalt  }
0x4a: {  	_ =	shalt  }
0x4b: {  	_ =	shalt  }
0x4c: {  	_ =	shalt  }
0x4d: {  	_ =	shalt  }
0x4e: {  	_ =	shalt  }
0x4f: {  	_ =	shalt  }
0x50: {  	_ =	shalt  }
0x51: {  	_ =	shalt  }
0x52: {  	_ =	shalt  }
0x53: {  	_ =	shalt  }
0x54: {  	_ =	shalt  }
0x55: {  	_ =	shalt  }
0x56: {  	_ =	shalt  }
0x57: {  	_ =	shalt  }
0x58: {  	_ =	shalt  }
0x59: {  	_ =	shalt  }
0x5a: {  	_ =	shalt  }
0x5b: {  	_ =	shalt  }
0x5c: {  	_ =	shalt  }
0x5d: {  	_ =	shalt  }
0x5e: {  	_ =	shalt  }
0x5f: {  	_ =	shalt  }
0x60: {  	_ =	shalt  }
0x61: {  	_ =	shalt  }
0x62: {  	_ =	shalt  }
0x63: {  	_ =	shalt  }
0x64: {  	_ =	shalt  }
0x65: {  	_ =	shalt  }
0x66: {  	_ =	shalt  }
0x67: {  	_ =	shalt  }
0x68: {  	_ =	shalt  }
0x69: {  	_ =	shalt  }
0x6a: {  	_ =	shalt  }
0x6b: {  	_ =	shalt  }
0x6c: {  	_ =	shalt  }
0x6d: {  	_ =	shalt  }
0x6e: {  	_ =	shalt  }
0x6f: {  	_ =	shalt  }
0x70: {  	_ =	shalt  }
0x71: {  	_ =	shalt  }
0x72: {  	_ =	shalt  }
0x73: {  	_ =	shalt  }
0x74: {  	_ =	shalt  }
0x75: {  	_ =	shalt  }
0x76: {  	_ =	shalt  }
0x77: {  	_ =	shalt  }
0x78: {  	_ =	shalt  }
0x79: {  	_ =	shalt  }
0x7a: {  	_ =	shalt  }
0x7b: {  	_ =	shalt  }
0x7c: {  	_ =	shalt  }
0x7d: {  	_ =	shalt  }
0x7e: {  	_ =	shalt  }
0x7f: {  	_ =	shalt  }
0x80: {  	_ =	shalt  }
0x81: {  	_ =	shalt  }
0x82: {  	_ =	shalt  }
0x83: {  	_ =	shalt  }
0x84: {  	_ =	shalt  }
0x85: {  	_ =	shalt  }
0x86: {  	_ =	shalt  }
0x87: {  	_ =	shalt  }
.Lfunc_end0:
.L_simem_size_0:
called_computation_lowered:
.L_overlay_start_0:
0x88: {  	s2 =	sld [smem:$0x3FD9]  }
0x89: {  	s3 =	sld [smem:$0x3FFE];
	_ =	sdelay $0x1  }
0x8a: {  	s1 =	srdreg.scid  }
0x8b: {  	s0 =	sand.u32 $0x1, s1  }
0x8c: {  	s17 =	sshll.u32 s0, $0xA;
	s2 =	sadd.s32 s3, s2  }
0x8d: {  	s2 =	sadd.s32 s2, s17  }
0x8e: {  	[smem:$0x3FC7] =	sst s2  }
0x8f: {  	_ = 	snop  }
0x90: {  	s2 =	sld [smem:$0x3FD0];
	(tm) =	ssettm $0x1  }
0x91: {  	s18 =	sld [smem:$0x3FFB];
	_ =	sdelay $0x3  }
0x92: {  	_ =	strace s18  }
0x93: {  	s3 =	sld [smem:$0x3FFC];
	_ =	sdelay $0x3  }
0x94: {  	_ =	strace s3  }
0x95: {  	s3 =	sld [smem:$0x3FFD];
	_ =	sdelay $0x3  }
0x96: {  	_ =	strace s3  }
0x97: {  	_ =	strace $0x8FFFFFFF  }
0x98: {  	s19 =	sld [smem:$0x3FDB];
	_ =	sdelay $0x1  }
0x99: {  	s4 =	simm.s32 $_scs_section_size  }
0x9a: {  	s5 =	simm.s32 $_size__tile_overlayer_lowered;
	s6 =	simm.s32 $_tile_overlayer_lowered  }
0x9b: {  	s22 =	simm.s32 $0x1BFF;
	s21 =	sshll.u32 s6, $0x1;
	s3 =	sadd.s32 s4, s19  }
0x9c: {  	s7 =	simm.s32 $0x0;
	s20 =	sshll.u32 s5, $0x1;
	s5 =	sadd.s32 s21, s3  }
0x9d: {  	[timem:s7], [sflag:s22] =	dma.local [hbm:s5], s20  }
0x9e: {  	_ =	swait.ge [sflag:s22], s20  }
0x9f: {  	s4 =	ssub.s32 $0x0, s20;
	[sflag:s22] =	ssyncset.done $0x0  }
0xa0: {  	[sflag:s22] =	ssyncadd.s32 s4;
	_ =	sdelay $0x1  }
0xa1: {  	s23 =	simm.s32 $0x1B8B  }
0xa2: {  	_ =	swait.ge [sflag:s23], $0x1  }
0xa3: {  	[sflag:s23] =	ssyncset.done $0x0  }
0xa4: {  	s25 =	simm.s32 $0x1B8E;
	s24 =	sld [smem:$0x3FFE];
	[sflag:s23] =	ssyncadd.s32 $0xFFFFFFFF  }
0xa5: {  	s26 =	simm.s32 $execute0_lowered;
	[smem:$0x3FD2] =	sst s25  }
0xa6: {  	s5 =	sshll.u32 s26, $0x1;
	_ =	strace $0x80000046;
	[dreg:$0x1] =	wrdreg $0xFFFFFFFF  }
0xa7: {  	s28 =	simm.s32 $_size_execute0_lowered;
	s3 =	sadd.s32 s3, s5;
	[dreg:$0x0] =	wrdreg $0x0  }
0xa8: {  	s5 =	sshll.u32 s28, $0x1;
	[dreg:$0x2] =	wrdreg s3  }
0xa9: {  	[dreg:$0x3] =	wrdreg s5  }
0xaa: {  	[dreg:$0x4] =	wrdreg $0xC0  }
0xab: {  	_ =	task [dreg:s7], $0x5FFFF  }
0xac: {  	[dreg:$0x1] =	wrdreg $0xFFFFFFFF  }
0xad: {  	[dreg:$0x0] =	wrdreg $0x60  }
0xae: {  	[dreg:$0x2] =	wrdreg s24  }
0xaf: {  	[dreg:$0x3] =	wrdreg s2  }
0xb0: {  	[dreg:$0x4] =	wrdreg $0x34100  }
0xb1: {  	[dreg:$0x5] =	wrdreg $0x9  }
0xb2: {  	_ =	task.clear_ibuf [dreg:s7], $0x6FFFF;
	_ =	strace $0x90000046  }
0xb3: {  	s29 =	simm.s32 $0x9;
	_ =	strace $0x80000048  }
0xb4: {  	_ =	swait.ge [sflag:s29], $0x1  }
0xb5: {  	[sflag:s29] =	ssyncadd.s32 $0xFFFFFFFF  }
0xb6: {  	_ =	strace $0x90000048  }
0xb7: {  	_ =	sfence  }
0xb8: {  	s30 =	sld [smem:$0x0];
	_ =	sdelay $0x2  }
0xb9: {  	s31 =	sshll.u32 s1, $0xD;
	s1 =	sshrl.u32 s1, $0x2  }
0xba: {  	s3 =	sand.u32 $0x4000, s31;
	s1 =	sadd.s32 s1, s30  }
0xbb: {  	s0 =	sor.u32 s3, s0;
	s1 =	sshll.u32 s1, $0x11  }
0xbc: {  	s0 =	sor.u32 s1, s0  }
0xbd: {  	s0 =	sadd.s32 $0x8F2B, s0  }
0xbe: {  	[sflag:s0] =	ssyncadd.remote.s32 $0x1  }
0xbf: {  	_ =	sfence.sel $0xFFFF  }
0xc0: {  	[dreg:$0x0] =	wrdreg $0xFFFFFFFF;
	(pc) =	sbr.abs _section_cstart, $3  }
0xc1: {  	[dreg:$0x1] =	wrdreg $0xFFFFFFFF  }
0xc2: {  	_ =	task.clear_ibuf [dreg:s7], $0x2FFFF;
	_ =	strace $0x9FFFFFFF  }
0xc3: {  	(tm) =	ssettm $0x7FFFFFFF  }
tec
execute0_lowered:
.L_overlay_start_1:
0x0: {  	(tag) =	ssettag $0x1  }
0x1: {  	s4 =	rddreg [dreg:$0x0]  }
0x2: {  	s1 =	srdreg.scid;
	s14 =	rddreg [dreg:$0x1]  }
0x3: {  	s0 =	stileid.u32;
	s2 =	rddreg [dreg:$0x2]  }
0x4: {  	s3 =	simm.s32 $0x0;
	s19 =	simm.s32 $0x2710;
	s20 =	simm.s32 $0x1  }
0x5: {  	s6 =	sand.u32 $0x1, s1;
	s30 =	sshll.u32 s0, $0x1;
	s1 =	rddreg [dreg:$0x3]  }
0x6: {  	[smem:$0x7FF] =	sst s3;
	s9 =	smul.u32 $0x2800, s0;
	s5 =	sor.u32 s6, s30  }
0x7: {  	s7 =	ssub.s32 $0x2, s6;
	_ =	strace $0x80000047;
	s13 =	smul.u32 $0x28000, s6  }
0x8: {  	s5 =	smul.u32 $0x4E2, s5;
	s31 =	sshrl.u32 s7, $0x1;
	s10 =	sadd.s32 $0x800, s9  }
0x9: {  	s12 =	sadd.s32 $0x1000, s9;
	s16 =	sadd.s32 $0x1800, s9;
	s17 =	sadd.s32 $0x2000, s9  }
0xa: {  	s15 =	ssub.s32 s7, s31;
	s6 =	sadd.s32 s10, s2;
	s7 =	sadd.s32 s12, s2  }
0xb: {  	s8 =	sadd.s32 s16, s2;
	s11 =	sadd.s32 s9, s13;
	s10 =	sadd.s32 s13, s10  }
0xc: {  	s12 =	sadd.s32 s13, s12;
	s16 =	sadd.s32 s13, s16;
	s13 =	sadd.s32 s13, s17  }
0xd: {  	s4 =	sadd.s32 s5, s4;
	s5 =	sadd.s32 s9, s2;
	s11 =	sshrl.u32 s11, $0x3  }
0xe: {  	s18 =	sshrl.u32 s10, $0x3;
	s9 =	sadd.s32 s17, s2;
	s12 =	sshrl.u32 s12, $0x3  }
0xf: {  	s16 =	sshrl.u32 s16, $0x3;
	s17 =	sshrl.u32 s13, $0x3;
	s15 =	smax.u32 s15, $0x1  }
0x10: {  	s4 =	sadd.s32 $0x400, s4;
	s10 =	sadd.s32 s14, s11;
	s11 =	sadd.s32 s14, s18  }
0x11: {  	s12 =	sadd.s32 s14, s12;
	s13 =	sadd.s32 s14, s16;
	s14 =	sadd.s32 s14, s17  }
0x12: {  	v0 =	vimm.f32 $0.0e+00;
	v1 =	vimm.f32 $1.000000000e+00;
	s16 =	simm.s32 $0x2;
	s17 =	simm.s32 $0x2C10;
	s18 =	simm.s32 $0x50  }
.LBB2_1:
0x13: {  	s21 =	simm.s32 $0x0  }
.LBB2_2:
0x14: {  	p0 =	sne.s32 s21, $0x1FC0  }
.Ltmp0:
0x15: {  	_ = 	snop;
	(pc) =	sbr.rel @p0 .LBB2_2-.Ltmp0, $3  }
0x16: {  	_ =	sdelay $0x1  }
0x17: {  	s22 =	sshra.s32 s21, $0x2  }
0x18: {  	s21 =	sadd.s32 $0x40, s21;
	[tilespmem:s22+$0x2C10] =	vst v0  }
0x19: {  	s21 =	simm.s32 $0x40;
	s22 =	simm.s32 $0x0  }
.LBB2_4:
0x1a: {  	p0 =	sne.s32 s21, $0x13C0;
	[tilespmem:s22+$0x2710] =	vst v1;
	s22 =	smov.u32 s21;
	s21 =	sadd.s32 $0x40, s21  }
.Ltmp1:
0x1b: {  	(pc) =	sbr.rel @p0 .LBB2_4-.Ltmp1, $2  }
0x1c: {  	_ =	sdelay $0x2  }
0x1d: {  	s22 =	sshra.s32 s22, $0x2  }
0x1e: {  	[tilespmem:s22+$0x2710] =	vst v1;
	s21 =	simm.s32 $0x0  }
0x1f: {  	[tilespmem:s21], [sflag:$0x2] =	stream.linear.gather [hbm4b:s4+s21], $0x2710, $0x38;
	[tilespmem:$0x5C10] =	vst v63  }
0x20: {  	_ =	swait.ge [sflag:s16], $0x2710  }
0x21: {  	[sflag:s16] =	ssyncset.done $0x0  }
0x22: {  	[sflag:s16] =	ssyncadd.s32 $0xFFFFD8F0  }
0x23: {  	[spmem:s5] =	stream.linear.scatter [tilespmem:s17], [sflag:$0x2], $0x800, $0x38;
	[tilespmem:$0x5C10] =	vst v63  }
0x24: {  	_ =	swait.ge [sflag:s16], $0x800  }
0x25: {  	[sflag:s16] =	ssyncset.done $0x0  }
0x26: {  	[sflag:s16] =	ssyncadd.s32 $0xFFFFF800  }
0x27: {  	[spmem:s6] =	stream.linear.scatter [tilespmem:s17], [sflag:$0x2], $0x800, $0x38;
	[tilespmem:$0x5C10] =	vst v63  }
0x28: {  	_ =	swait.ge [sflag:s16], $0x800  }
0x29: {  	[sflag:s16] =	ssyncset.done $0x0  }
0x2a: {  	[sflag:s16] =	ssyncadd.s32 $0xFFFFF800  }
0x2b: {  	[spmem:s7] =	stream.linear.scatter [tilespmem:s17], [sflag:$0x2], $0x800, $0x38;
	[tilespmem:$0x5C10] =	vst v63  }
0x2c: {  	_ =	swait.ge [sflag:s16], $0x800  }
0x2d: {  	[sflag:s16] =	ssyncset.done $0x0  }
0x2e: {  	[sflag:s16] =	ssyncadd.s32 $0xFFFFF800  }
0x2f: {  	[spmem:s8] =	stream.linear.scatter [tilespmem:s17], [sflag:$0x2], $0x800, $0x38;
	[tilespmem:$0x5C10] =	vst v63  }
0x30: {  	_ =	swait.ge [sflag:s16], $0x800  }
0x31: {  	[sflag:s16] =	ssyncset.done $0x0  }
0x32: {  	[sflag:s16] =	ssyncadd.s32 $0xFFFFF800  }
0x33: {  	[spmem:s9] =	stream.linear.scatter [tilespmem:s17], [sflag:$0x2], $0x800, $0x38;
	[tilespmem:$0x5C10] =	vst v63  }
0x34: {  	_ =	swait.ge [sflag:s16], $0x800  }
0x35: {  	[sflag:s16] =	ssyncset.done $0x0  }
0x36: {  	[sflag:s16] =	ssyncadd.s32 $0xFFFFF800  }
0x37: {  	s24 =	simm.s32 $0x0;
	[bflag:$0x0] =	sbarrier.arrive $0xFFFF  }
0x38: {  	[spmem:s2] =	stream.indirect.scatter.add.f32 [tilespmem:s19], [sflag:$0x1], $0x10, s24, s18, $0xb8;
	[tilespmem:$0x5C10] =	vst v63  }
0x39: {  	s25 =	simm.s32 $0x50  }
0x3a: {  	[spmem:s2] =	stream.indirect.scatter.add.f32 [tilespmem:s19], [sflag:$0x1], $0x10, s25, s18, $0xb8;
	[tilespmem:$0x5C10] =	vst v63  }
0x3b: {  	s26 =	simm.s32 $0xA0  }
0x3c: {  	[spmem:s2] =	stream.indirect.scatter.add.f32 [tilespmem:s19], [sflag:$0x1], $0x10, s26, s18, $0xb8;
	[tilespmem:$0x5C10] =	vst v63  }
0x3d: {  	s28 =	simm.s32 $0xF0  }
0x3e: {  	[spmem:s2] =	stream.indirect.scatter.add.f32 [tilespmem:s19], [sflag:$0x1], $0x10, s28, s18, $0xb8;
	[tilespmem:$0x5C10] =	vst v63  }
0x3f: {  	s29 =	simm.s32 $0x140  }
0x40: {  	[spmem:s2] =	stream.indirect.scatter.add.f32 [tilespmem:s19], [sflag:$0x1], $0x10, s29, s18, $0xb8;
	[tilespmem:$0x5C10] =	vst v63  }
0x41: {  	s30 =	simm.s32 $0x190  }
0x42: {  	[spmem:s2] =	stream.indirect.scatter.add.f32 [tilespmem:s19], [sflag:$0x1], $0x10, s30, s18, $0xb8;
	[tilespmem:$0x5C10] =	vst v63  }
0x43: {  	s31 =	simm.s32 $0x1E0  }
0x44: {  	[spmem:s2] =	stream.indirect.scatter.add.f32 [tilespmem:s19], [sflag:$0x1], $0x10, s31, s18, $0xb8;
	[tilespmem:$0x5C10] =	vst v63  }
0x45: {  	s22 =	simm.s32 $0x230  }
0x46: {  	[spmem:s2] =	stream.indirect.scatter.add.f32 [tilespmem:s19], [sflag:$0x1], $0x10, s22, s18, $0xb8;
	[tilespmem:$0x5C10] =	vst v63  }
0x47: {  	s23 =	simm.s32 $0x280  }
0x48: {  	[spmem:s2] =	stream.indirect.scatter.add.f32 [tilespmem:s19], [sflag:$0x1], $0x10, s23, s18, $0xb8;
	[tilespmem:$0x5C10] =	vst v63  }
0x49: {  	s24 =	simm.s32 $0x2D0  }
0x4a: {  	[spmem:s2] =	stream.indirect.scatter.add.f32 [tilespmem:s19], [sflag:$0x1], $0x10, s24, s18, $0xb8;
	[tilespmem:$0x5C10] =	vst v63  }
0x4b: {  	s25 =	simm.s32 $0x320  }
0x4c: {  	[spmem:s2] =	stream.indirect.scatter.add.f32 [tilespmem:s19], [sflag:$0x1], $0x10, s25, s18, $0xb8;
	[tilespmem:$0x5C10] =	vst v63  }
0x4d: {  	s26 =	simm.s32 $0x370  }
0x4e: {  	[spmem:s2] =	stream.indirect.scatter.add.f32 [tilespmem:s19], [sflag:$0x1], $0x10, s26, s18, $0xb8;
	[tilespmem:$0x5C10] =	vst v63  }
0x4f: {  	s28 =	simm.s32 $0x3C0  }
0x50: {  	[spmem:s2] =	stream.indirect.scatter.add.f32 [tilespmem:s19], [sflag:$0x1], $0x10, s28, s18, $0xb8;
	[tilespmem:$0x5C10] =	vst v63  }
0x51: {  	s29 =	simm.s32 $0x410  }
0x52: {  	[spmem:s2] =	stream.indirect.scatter.add.f32 [tilespmem:s19], [sflag:$0x1], $0x10, s29, s18, $0xb8;
	[tilespmem:$0x5C10] =	vst v63  }
0x53: {  	s30 =	simm.s32 $0x460  }
0x54: {  	[spmem:s2] =	stream.indirect.scatter.add.f32 [tilespmem:s19], [sflag:$0x1], $0x10, s30, s18, $0xb8;
	[tilespmem:$0x5C10] =	vst v63  }
0x55: {  	s31 =	simm.s32 $0x4B0  }
0x56: {  	[spmem:s2] =	stream.indirect.scatter.add.f32 [tilespmem:s19], [sflag:$0x1], $0x10, s31, s18, $0xb8;
	[tilespmem:$0x5C10] =	vst v63  }
0x57: {  	s22 =	simm.s32 $0x500  }
0x58: {  	[spmem:s2] =	stream.indirect.scatter.add.f32 [tilespmem:s19], [sflag:$0x1], $0x10, s22, s18, $0xb8;
	[tilespmem:$0x5C10] =	vst v63  }
0x59: {  	s23 =	simm.s32 $0x550  }
0x5a: {  	[spmem:s2] =	stream.indirect.scatter.add.f32 [tilespmem:s19], [sflag:$0x1], $0x10, s23, s18, $0xb8;
	[tilespmem:$0x5C10] =	vst v63  }
0x5b: {  	s24 =	simm.s32 $0x5A0  }
0x5c: {  	[spmem:s2] =	stream.indirect.scatter.add.f32 [tilespmem:s19], [sflag:$0x1], $0x10, s24, s18, $0xb8;
	[tilespmem:$0x5C10] =	vst v63  }
0x5d: {  	s25 =	simm.s32 $0x5F0  }
0x5e: {  	[spmem:s2] =	stream.indirect.scatter.add.f32 [tilespmem:s19], [sflag:$0x1], $0x10, s25, s18, $0xb8;
	[tilespmem:$0x5C10] =	vst v63  }
0x5f: {  	s26 =	simm.s32 $0x640  }
0x60: {  	[spmem:s2] =	stream.indirect.scatter.add.f32 [tilespmem:s19], [sflag:$0x1], $0x10, s26, s18, $0xb8;
	[tilespmem:$0x5C10] =	vst v63  }
0x61: {  	s28 =	simm.s32 $0x690  }
0x62: {  	[spmem:s2] =	stream.indirect.scatter.add.f32 [tilespmem:s19], [sflag:$0x1], $0x10, s28, s18, $0xb8;
	[tilespmem:$0x5C10] =	vst v63  }
0x63: {  	s29 =	simm.s32 $0x6E0  }
0x64: {  	[spmem:s2] =	stream.indirect.scatter.add.f32 [tilespmem:s19], [sflag:$0x1], $0x10, s29, s18, $0xb8;
	[tilespmem:$0x5C10] =	vst v63  }
0x65: {  	s30 =	simm.s32 $0x730  }
0x66: {  	[spmem:s2] =	stream.indirect.scatter.add.f32 [tilespmem:s19], [sflag:$0x1], $0x10, s30, s18, $0xb8;
	[tilespmem:$0x5C10] =	vst v63  }
0x67: {  	s31 =	simm.s32 $0x780  }
0x68: {  	[spmem:s2] =	stream.indirect.scatter.add.f32 [tilespmem:s19], [sflag:$0x1], $0x10, s31, s18, $0xb8;
	[tilespmem:$0x5C10] =	vst v63  }
0x69: {  	_ =	swait.ge [sflag:s20], $0x500  }
0x6a: {  	[sflag:s20] =	ssyncset.done $0x0  }
0x6b: {  	[sflag:s20] =	ssyncadd.s32 $0xFFFFFB00  }
0x6c: {  	_ =	swait.ge [sflag:s20], $0x500  }
0x6d: {  	[sflag:s20] =	ssyncset.done $0x0  }
0x6e: {  	[sflag:s20] =	ssyncadd.s32 $0xFFFFFB00  }
0x6f: {  	_ =	swait.ge [sflag:s20], $0x500  }
0x70: {  	[sflag:s20] =	ssyncset.done $0x0  }
0x71: {  	[sflag:s20] =	ssyncadd.s32 $0xFFFFFB00  }
0x72: {  	_ =	swait.ge [sflag:s20], $0x500  }
0x73: {  	[sflag:s20] =	ssyncset.done $0x0  }
0x74: {  	[sflag:s20] =	ssyncadd.s32 $0xFFFFFB00  }
0x75: {  	_ =	swait.ge [sflag:s20], $0x500  }
0x76: {  	[sflag:s20] =	ssyncset.done $0x0  }
0x77: {  	[sflag:s20] =	ssyncadd.s32 $0xFFFFFB00  }
0x78: {  	_ =	swait.ge [sflag:s20], $0x500  }
0x79: {  	[sflag:s20] =	ssyncset.done $0x0  }
0x7a: {  	[sflag:s20] =	ssyncadd.s32 $0xFFFFFB00  }
0x7b: {  	_ =	swait.ge [sflag:s20], $0x500  }
0x7c: {  	[sflag:s20] =	ssyncset.done $0x0  }
0x7d: {  	[sflag:s20] =	ssyncadd.s32 $0xFFFFFB00  }
0x7e: {  	_ =	swait.ge [sflag:s20], $0x500  }
0x7f: {  	[sflag:s20] =	ssyncset.done $0x0  }
0x80: {  	[sflag:s20] =	ssyncadd.s32 $0xFFFFFB00  }
0x81: {  	_ =	swait.ge [sflag:s20], $0x500  }
0x82: {  	[sflag:s20] =	ssyncset.done $0x0  }
0x83: {  	[sflag:s20] =	ssyncadd.s32 $0xFFFFFB00  }
0x84: {  	_ =	swait.ge [sflag:s20], $0x500  }
0x85: {  	[sflag:s20] =	ssyncset.done $0x0  }
0x86: {  	[sflag:s20] =	ssyncadd.s32 $0xFFFFFB00  }
0x87: {  	_ =	swait.ge [sflag:s20], $0x500  }
0x88: {  	[sflag:s20] =	ssyncset.done $0x0  }
0x89: {  	[sflag:s20] =	ssyncadd.s32 $0xFFFFFB00  }
0x8a: {  	_ =	swait.ge [sflag:s20], $0x500  }
0x8b: {  	[sflag:s20] =	ssyncset.done $0x0  }
0x8c: {  	[sflag:s20] =	ssyncadd.s32 $0xFFFFFB00  }
0x8d: {  	_ =	swait.ge [sflag:s20], $0x500  }
0x8e: {  	[sflag:s20] =	ssyncset.done $0x0  }
0x8f: {  	[sflag:s20] =	ssyncadd.s32 $0xFFFFFB00  }
0x90: {  	_ =	swait.ge [sflag:s20], $0x500  }
0x91: {  	[sflag:s20] =	ssyncset.done $0x0  }
0x92: {  	[sflag:s20] =	ssyncadd.s32 $0xFFFFFB00  }
0x93: {  	_ =	swait.ge [sflag:s20], $0x500  }
0x94: {  	[sflag:s20] =	ssyncset.done $0x0  }
0x95: {  	[sflag:s20] =	ssyncadd.s32 $0xFFFFFB00  }
0x96: {  	_ =	swait.ge [sflag:s20], $0x500  }
0x97: {  	[sflag:s20] =	ssyncset.done $0x0  }
0x98: {  	[sflag:s20] =	ssyncadd.s32 $0xFFFFFB00  }
0x99: {  	_ =	swait.ge [sflag:s20], $0x500  }
0x9a: {  	[sflag:s20] =	ssyncset.done $0x0  }
0x9b: {  	[sflag:s20] =	ssyncadd.s32 $0xFFFFFB00  }
0x9c: {  	_ =	swait.ge [sflag:s20], $0x500  }
0x9d: {  	[sflag:s20] =	ssyncset.done $0x0  }
0x9e: {  	[sflag:s20] =	ssyncadd.s32 $0xFFFFFB00  }
0x9f: {  	_ =	swait.ge [sflag:s20], $0x500  }
0xa0: {  	[sflag:s20] =	ssyncset.done $0x0  }
0xa1: {  	[sflag:s20] =	ssyncadd.s32 $0xFFFFFB00  }
0xa2: {  	_ =	swait.ge [sflag:s20], $0x500  }
0xa3: {  	[sflag:s20] =	ssyncset.done $0x0  }
0xa4: {  	[sflag:s20] =	ssyncadd.s32 $0xFFFFFB00  }
0xa5: {  	_ =	swait.ge [sflag:s20], $0x500  }
0xa6: {  	[sflag:s20] =	ssyncset.done $0x0  }
0xa7: {  	[sflag:s20] =	ssyncadd.s32 $0xFFFFFB00  }
0xa8: {  	_ =	swait.ge [sflag:s20], $0x500  }
0xa9: {  	[sflag:s20] =	ssyncset.done $0x0  }
0xaa: {  	[sflag:s20] =	ssyncadd.s32 $0xFFFFFB00  }
0xab: {  	_ =	swait.ge [sflag:s20], $0x500  }
0xac: {  	[sflag:s20] =	ssyncset.done $0x0  }
0xad: {  	[sflag:s20] =	ssyncadd.s32 $0xFFFFFB00  }
0xae: {  	_ =	swait.ge [sflag:s20], $0x500  }
0xaf: {  	[sflag:s20] =	ssyncset.done $0x0  }
0xb0: {  	[sflag:s20] =	ssyncadd.s32 $0xFFFFFB00  }
0xb1: {  	_ =	swait.ge [sflag:s20], $0x500  }
0xb2: {  	s21 =	simm.s32 $0x1F40;
	s24 =	simm.s32 $0x3E80;
	[sflag:s20] =	ssyncset.done $0x0  }
.LBB2_6:
0xb3: {  	s23 =	sshra.s32 s21, $0x2  }
0xb4: {  	[sflag:s20] =	ssyncadd.s32 $0xFFFFFB00;
	s21 =	smov.u32 s24;
	s22 =	sadd.s32 $0x1F40, s24  }
0xb5: {  	[spmem:s2] =	stream.indirect.scatter.add.f32 [tilespmem:s19], [sflag:$0x1], $0x10, s23, s18, $0xb8;
	[tilespmem:$0x5C10] =	vst v63  }
0xb6: {  	p0 =	sne.s32 s24, $0x7D00;
	s24 =	sadd.s32 $0x50, s23  }
0xb7: {  	[spmem:s2] =	stream.indirect.scatter.add.f32 [tilespmem:s19], [sflag:$0x1], $0x10, s24, s18, $0xb8;
	[tilespmem:$0x5C10] =	vst v63  }
0xb8: {  	s24 =	sadd.s32 $0xA0, s23  }
0xb9: {  	[spmem:s2] =	stream.indirect.scatter.add.f32 [tilespmem:s19], [sflag:$0x1], $0x10, s24, s18, $0xb8;
	[tilespmem:$0x5C10] =	vst v63  }
0xba: {  	s24 =	sadd.s32 $0xF0, s23  }
0xbb: {  	[spmem:s2] =	stream.indirect.scatter.add.f32 [tilespmem:s19], [sflag:$0x1], $0x10, s24, s18, $0xb8;
	[tilespmem:$0x5C10] =	vst v63  }
0xbc: {  	s24 =	sadd.s32 $0x140, s23  }
0xbd: {  	[spmem:s2] =	stream.indirect.scatter.add.f32 [tilespmem:s19], [sflag:$0x1], $0x10, s24, s18, $0xb8;
	[tilespmem:$0x5C10] =	vst v63  }
0xbe: {  	s24 =	sadd.s32 $0x190, s23  }
0xbf: {  	[spmem:s2] =	stream.indirect.scatter.add.f32 [tilespmem:s19], [sflag:$0x1], $0x10, s24, s18, $0xb8;
	[tilespmem:$0x5C10] =	vst v63  }
0xc0: {  	s24 =	sadd.s32 $0x1E0, s23  }
0xc1: {  	[spmem:s2] =	stream.indirect.scatter.add.f32 [tilespmem:s19], [sflag:$0x1], $0x10, s24, s18, $0xb8;
	[tilespmem:$0x5C10] =	vst v63  }
0xc2: {  	s24 =	sadd.s32 $0x230, s23  }
0xc3: {  	[spmem:s2] =	stream.indirect.scatter.add.f32 [tilespmem:s19], [sflag:$0x1], $0x10, s24, s18, $0xb8;
	[tilespmem:$0x5C10] =	vst v63  }
0xc4: {  	s24 =	sadd.s32 $0x280, s23  }
0xc5: {  	[spmem:s2] =	stream.indirect.scatter.add.f32 [tilespmem:s19], [sflag:$0x1], $0x10, s24, s18, $0xb8;
	[tilespmem:$0x5C10] =	vst v63  }
0xc6: {  	s24 =	sadd.s32 $0x2D0, s23  }
0xc7: {  	[spmem:s2] =	stream.indirect.scatter.add.f32 [tilespmem:s19], [sflag:$0x1], $0x10, s24, s18, $0xb8;
	[tilespmem:$0x5C10] =	vst v63  }
0xc8: {  	s24 =	sadd.s32 $0x320, s23  }
0xc9: {  	[spmem:s2] =	stream.indirect.scatter.add.f32 [tilespmem:s19], [sflag:$0x1], $0x10, s24, s18, $0xb8;
	[tilespmem:$0x5C10] =	vst v63  }
0xca: {  	s24 =	sadd.s32 $0x370, s23  }
0xcb: {  	[spmem:s2] =	stream.indirect.scatter.add.f32 [tilespmem:s19], [sflag:$0x1], $0x10, s24, s18, $0xb8;
	[tilespmem:$0x5C10] =	vst v63  }
0xcc: {  	s24 =	sadd.s32 $0x3C0, s23  }
0xcd: {  	[spmem:s2] =	stream.indirect.scatter.add.f32 [tilespmem:s19], [sflag:$0x1], $0x10, s24, s18, $0xb8;
	[tilespmem:$0x5C10] =	vst v63  }
0xce: {  	s24 =	sadd.s32 $0x410, s23  }
0xcf: {  	[spmem:s2] =	stream.indirect.scatter.add.f32 [tilespmem:s19], [sflag:$0x1], $0x10, s24, s18, $0xb8;
	[tilespmem:$0x5C10] =	vst v63  }
0xd0: {  	s24 =	sadd.s32 $0x460, s23  }
0xd1: {  	[spmem:s2] =	stream.indirect.scatter.add.f32 [tilespmem:s19], [sflag:$0x1], $0x10, s24, s18, $0xb8;
	[tilespmem:$0x5C10] =	vst v63  }
0xd2: {  	s24 =	sadd.s32 $0x4B0, s23  }
0xd3: {  	[spmem:s2] =	stream.indirect.scatter.add.f32 [tilespmem:s19], [sflag:$0x1], $0x10, s24, s18, $0xb8;
	[tilespmem:$0x5C10] =	vst v63  }
0xd4: {  	s24 =	sadd.s32 $0x500, s23  }
0xd5: {  	[spmem:s2] =	stream.indirect.scatter.add.f32 [tilespmem:s19], [sflag:$0x1], $0x10, s24, s18, $0xb8;
	[tilespmem:$0x5C10] =	vst v63  }
0xd6: {  	s24 =	sadd.s32 $0x550, s23  }
0xd7: {  	[spmem:s2] =	stream.indirect.scatter.add.f32 [tilespmem:s19], [sflag:$0x1], $0x10, s24, s18, $0xb8;
	[tilespmem:$0x5C10] =	vst v63  }
0xd8: {  	s24 =	sadd.s32 $0x5A0, s23  }
0xd9: {  	[spmem:s2] =	stream.indirect.scatter.add.f32 [tilespmem:s19], [sflag:$0x1], $0x10, s24, s18, $0xb8;
	[tilespmem:$0x5C10] =	vst v63  }
0xda: {  	s24 =	sadd.s32 $0x5F0, s23  }
0xdb: {  	[spmem:s2] =	stream.indirect.scatter.add.f32 [tilespmem:s19], [sflag:$0x1], $0x10, s24, s18, $0xb8;
	[tilespmem:$0x5C10] =	vst v63  }
0xdc: {  	s24 =	sadd.s32 $0x640, s23  }
0xdd: {  	[spmem:s2] =	stream.indirect.scatter.add.f32 [tilespmem:s19], [sflag:$0x1], $0x10, s24, s18, $0xb8;
	[tilespmem:$0x5C10] =	vst v63  }
0xde: {  	s24 =	sadd.s32 $0x690, s23  }
0xdf: {  	[spmem:s2] =	stream.indirect.scatter.add.f32 [tilespmem:s19], [sflag:$0x1], $0x10, s24, s18, $0xb8;
	[tilespmem:$0x5C10] =	vst v63  }
0xe0: {  	s24 =	sadd.s32 $0x6E0, s23  }
0xe1: {  	[spmem:s2] =	stream.indirect.scatter.add.f32 [tilespmem:s19], [sflag:$0x1], $0x10, s24, s18, $0xb8;
	[tilespmem:$0x5C10] =	vst v63  }
0xe2: {  	s24 =	sadd.s32 $0x730, s23  }
0xe3: {  	[spmem:s2] =	stream.indirect.scatter.add.f32 [tilespmem:s19], [sflag:$0x1], $0x10, s24, s18, $0xb8;
	[tilespmem:$0x5C10] =	vst v63  }
0xe4: {  	s23 =	sadd.s32 $0x780, s23  }
0xe5: {  	[spmem:s2] =	stream.indirect.scatter.add.f32 [tilespmem:s19], [sflag:$0x1], $0x10, s23, s18, $0xb8;
	[tilespmem:$0x5C10] =	vst v63  }
0xe6: {  	_ =	swait.ge [sflag:s20], $0x500  }
0xe7: {  	[sflag:s20] =	ssyncset.done $0x0  }
0xe8: {  	[sflag:s20] =	ssyncadd.s32 $0xFFFFFB00  }
0xe9: {  	_ =	swait.ge [sflag:s20], $0x500  }
0xea: {  	[sflag:s20] =	ssyncset.done $0x0  }
0xeb: {  	[sflag:s20] =	ssyncadd.s32 $0xFFFFFB00  }
0xec: {  	_ =	swait.ge [sflag:s20], $0x500  }
0xed: {  	[sflag:s20] =	ssyncset.done $0x0  }
0xee: {  	[sflag:s20] =	ssyncadd.s32 $0xFFFFFB00  }
0xef: {  	_ =	swait.ge [sflag:s20], $0x500  }
0xf0: {  	[sflag:s20] =	ssyncset.done $0x0  }
0xf1: {  	[sflag:s20] =	ssyncadd.s32 $0xFFFFFB00  }
0xf2: {  	_ =	swait.ge [sflag:s20], $0x500  }
0xf3: {  	[sflag:s20] =	ssyncset.done $0x0  }
0xf4: {  	[sflag:s20] =	ssyncadd.s32 $0xFFFFFB00  }
0xf5: {  	_ =	swait.ge [sflag:s20], $0x500  }
0xf6: {  	[sflag:s20] =	ssyncset.done $0x0  }
0xf7: {  	[sflag:s20] =	ssyncadd.s32 $0xFFFFFB00  }
0xf8: {  	_ =	swait.ge [sflag:s20], $0x500  }
0xf9: {  	[sflag:s20] =	ssyncset.done $0x0  }
0xfa: {  	[sflag:s20] =	ssyncadd.s32 $0xFFFFFB00  }
0xfb: {  	_ =	swait.ge [sflag:s20], $0x500  }
0xfc: {  	[sflag:s20] =	ssyncset.done $0x0  }
0xfd: {  	[sflag:s20] =	ssyncadd.s32 $0xFFFFFB00  }
0xfe: {  	_ =	swait.ge [sflag:s20], $0x500  }
0xff: {  	[sflag:s20] =	ssyncset.done $0x0  }
0x100: {  	[sflag:s20] =	ssyncadd.s32 $0xFFFFFB00  }
0x101: {  	_ =	swait.ge [sflag:s20], $0x500  }
0x102: {  	[sflag:s20] =	ssyncset.done $0x0  }
0x103: {  	[sflag:s20] =	ssyncadd.s32 $0xFFFFFB00  }
0x104: {  	_ =	swait.ge [sflag:s20], $0x500  }
0x105: {  	[sflag:s20] =	ssyncset.done $0x0  }
0x106: {  	[sflag:s20] =	ssyncadd.s32 $0xFFFFFB00  }
0x107: {  	_ =	swait.ge [sflag:s20], $0x500  }
0x108: {  	[sflag:s20] =	ssyncset.done $0x0  }
0x109: {  	[sflag:s20] =	ssyncadd.s32 $0xFFFFFB00  }
0x10a: {  	_ =	swait.ge [sflag:s20], $0x500  }
0x10b: {  	[sflag:s20] =	ssyncset.done $0x0  }
0x10c: {  	[sflag:s20] =	ssyncadd.s32 $0xFFFFFB00  }
0x10d: {  	_ =	swait.ge [sflag:s20], $0x500  }
0x10e: {  	[sflag:s20] =	ssyncset.done $0x0  }
0x10f: {  	[sflag:s20] =	ssyncadd.s32 $0xFFFFFB00  }
0x110: {  	_ =	swait.ge [sflag:s20], $0x500  }
0x111: {  	[sflag:s20] =	ssyncset.done $0x0  }
0x112: {  	[sflag:s20] =	ssyncadd.s32 $0xFFFFFB00  }
0x113: {  	_ =	swait.ge [sflag:s20], $0x500  }
0x114: {  	[sflag:s20] =	ssyncset.done $0x0  }
0x115: {  	[sflag:s20] =	ssyncadd.s32 $0xFFFFFB00  }
0x116: {  	_ =	swait.ge [sflag:s20], $0x500  }
0x117: {  	[sflag:s20] =	ssyncset.done $0x0  }
0x118: {  	[sflag:s20] =	ssyncadd.s32 $0xFFFFFB00  }
0x119: {  	_ =	swait.ge [sflag:s20], $0x500  }
0x11a: {  	[sflag:s20] =	ssyncset.done $0x0  }
0x11b: {  	[sflag:s20] =	ssyncadd.s32 $0xFFFFFB00  }
0x11c: {  	_ =	swait.ge [sflag:s20], $0x500  }
0x11d: {  	[sflag:s20] =	ssyncset.done $0x0  }
0x11e: {  	[sflag:s20] =	ssyncadd.s32 $0xFFFFFB00  }
0x11f: {  	_ =	swait.ge [sflag:s20], $0x500  }
0x120: {  	[sflag:s20] =	ssyncset.done $0x0  }
0x121: {  	[sflag:s20] =	ssyncadd.s32 $0xFFFFFB00  }
0x122: {  	_ =	swait.ge [sflag:s20], $0x500  }
0x123: {  	[sflag:s20] =	ssyncset.done $0x0  }
0x124: {  	[sflag:s20] =	ssyncadd.s32 $0xFFFFFB00  }
0x125: {  	_ =	swait.ge [sflag:s20], $0x500  }
0x126: {  	[sflag:s20] =	ssyncset.done $0x0  }
0x127: {  	[sflag:s20] =	ssyncadd.s32 $0xFFFFFB00  }
0x128: {  	_ =	swait.ge [sflag:s20], $0x500  }
0x129: {  	[sflag:s20] =	ssyncset.done $0x0  }
0x12a: {  	[sflag:s20] =	ssyncadd.s32 $0xFFFFFB00  }
.Ltmp2:
0x12b: {  	_ =	swait.ge [sflag:s20], $0x500;
	(pc) =	sbr.rel @p0 .LBB2_6-.Ltmp2, $4  }
0x12c: {  	[sflag:s20] =	ssyncset.done $0x0  }
0x12d: {  	[sflag:s20] =	ssyncadd.s32 $0xFFFFFB00  }
0x12e: {  	_ =	swait.ge [sflag:s20], $0x500  }
0x12f: {  	s24 =	smov.u32 s22;
	[sflag:s20] =	ssyncset.done $0x0  }
0x130: {  	s21 =	sshra.s32 s21, $0x2;
	[sflag:s20] =	ssyncadd.s32 $0xFFFFFB00  }
0x131: {  	[spmem:s2] =	stream.indirect.scatter.add.f32 [tilespmem:s19], [sflag:$0x1], $0x10, s21, s18, $0xb8;
	[tilespmem:$0x5C10] =	vst v63  }
0x132: {  	s22 =	sadd.s32 $0x50, s21  }
0x133: {  	[spmem:s2] =	stream.indirect.scatter.add.f32 [tilespmem:s19], [sflag:$0x1], $0x10, s22, s18, $0xb8;
	[tilespmem:$0x5C10] =	vst v63  }
0x134: {  	s28 =	sadd.s32 $0xA0, s21  }
0x135: {  	[spmem:s2] =	stream.indirect.scatter.add.f32 [tilespmem:s19], [sflag:$0x1], $0x10, s28, s18, $0xb8;
	[tilespmem:$0x5C10] =	vst v63  }
0x136: {  	s29 =	sadd.s32 $0xF0, s21  }
0x137: {  	[spmem:s2] =	stream.indirect.scatter.add.f32 [tilespmem:s19], [sflag:$0x1], $0x10, s29, s18, $0xb8;
	[tilespmem:$0x5C10] =	vst v63  }
0x138: {  	s30 =	sadd.s32 $0x140, s21  }
0x139: {  	[spmem:s2] =	stream.indirect.scatter.add.f32 [tilespmem:s19], [sflag:$0x1], $0x10, s30, s18, $0xb8;
	[tilespmem:$0x5C10] =	vst v63  }
0x13a: {  	s31 =	sadd.s32 $0x190, s21  }
0x13b: {  	[spmem:s2] =	stream.indirect.scatter.add.f32 [tilespmem:s19], [sflag:$0x1], $0x10, s31, s18, $0xb8;
	[tilespmem:$0x5C10] =	vst v63  }
0x13c: {  	s23 =	sadd.s32 $0x1E0, s21  }
0x13d: {  	[spmem:s2] =	stream.indirect.scatter.add.f32 [tilespmem:s19], [sflag:$0x1], $0x10, s23, s18, $0xb8;
	[tilespmem:$0x5C10] =	vst v63  }
0x13e: {  	s24 =	sadd.s32 $0x230, s21  }
0x13f: {  	[spmem:s2] =	stream.indirect.scatter.add.f32 [tilespmem:s19], [sflag:$0x1], $0x10, s24, s18, $0xb8;
	[tilespmem:$0x5C10] =	vst v63  }
0x140: {  	s25 =	sadd.s32 $0x280, s21  }
0x141: {  	[spmem:s2] =	stream.indirect.scatter.add.f32 [tilespmem:s19], [sflag:$0x1], $0x10, s25, s18, $0xb8;
	[tilespmem:$0x5C10] =	vst v63  }
0x142: {  	s26 =	sadd.s32 $0x2D0, s21  }
0x143: {  	[spmem:s2] =	stream.indirect.scatter.add.f32 [tilespmem:s19], [sflag:$0x1], $0x10, s26, s18, $0xb8;
	[tilespmem:$0x5C10] =	vst v63  }
0x144: {  	s28 =	sadd.s32 $0x320, s21  }
0x145: {  	[spmem:s2] =	stream.indirect.scatter.add.f32 [tilespmem:s19], [sflag:$0x1], $0x10, s28, s18, $0xb8;
	[tilespmem:$0x5C10] =	vst v63  }
0x146: {  	s29 =	sadd.s32 $0x370, s21  }
0x147: {  	[spmem:s2] =	stream.indirect.scatter.add.f32 [tilespmem:s19], [sflag:$0x1], $0x10, s29, s18, $0xb8;
	[tilespmem:$0x5C10] =	vst v63  }
0x148: {  	s30 =	sadd.s32 $0x3C0, s21  }
0x149: {  	[spmem:s2] =	stream.indirect.scatter.add.f32 [tilespmem:s19], [sflag:$0x1], $0x10, s30, s18, $0xb8;
	[tilespmem:$0x5C10] =	vst v63  }
0x14a: {  	s31 =	sadd.s32 $0x410, s21  }
0x14b: {  	[spmem:s2] =	stream.indirect.scatter.add.f32 [tilespmem:s19], [sflag:$0x1], $0x10, s31, s18, $0xb8;
	[tilespmem:$0x5C10] =	vst v63  }
0x14c: {  	s23 =	sadd.s32 $0x460, s21  }
0x14d: {  	[spmem:s2] =	stream.indirect.scatter.add.f32 [tilespmem:s19], [sflag:$0x1], $0x10, s23, s18, $0xb8;
	[tilespmem:$0x5C10] =	vst v63  }
0x14e: {  	s24 =	sadd.s32 $0x4B0, s21  }
0x14f: {  	[spmem:s2] =	stream.indirect.scatter.add.f32 [tilespmem:s19], [sflag:$0x1], $0x10, s24, s18, $0xb8;
	[tilespmem:$0x5C10] =	vst v63  }
0x150: {  	s25 =	sadd.s32 $0x500, s21  }
0x151: {  	[spmem:s2] =	stream.indirect.scatter.add.f32 [tilespmem:s19], [sflag:$0x1], $0x10, s25, s18, $0xb8;
	[tilespmem:$0x5C10] =	vst v63  }
0x152: {  	s26 =	sadd.s32 $0x550, s21  }
0x153: {  	[spmem:s2] =	stream.indirect.scatter.add.f32 [tilespmem:s19], [sflag:$0x1], $0x10, s26, s18, $0xb8;
	[tilespmem:$0x5C10] =	vst v63  }
0x154: {  	s28 =	sadd.s32 $0x5A0, s21  }
0x155: {  	[spmem:s2] =	stream.indirect.scatter.add.f32 [tilespmem:s19], [sflag:$0x1], $0x10, s28, s18, $0xb8;
	[tilespmem:$0x5C10] =	vst v63  }
0x156: {  	s29 =	sadd.s32 $0x5F0, s21  }
0x157: {  	[spmem:s2] =	stream.indirect.scatter.add.f32 [tilespmem:s19], [sflag:$0x1], $0x10, s29, s18, $0xb8;
	[tilespmem:$0x5C10] =	vst v63  }
0x158: {  	s30 =	sadd.s32 $0x640, s21  }
0x159: {  	[spmem:s2] =	stream.indirect.scatter.add.f32 [tilespmem:s19], [sflag:$0x1], $0x10, s30, s18, $0xb8;
	[tilespmem:$0x5C10] =	vst v63  }
0x15a: {  	s31 =	sadd.s32 $0x690, s21  }
0x15b: {  	[spmem:s2] =	stream.indirect.scatter.add.f32 [tilespmem:s19], [sflag:$0x1], $0x10, s31, s18, $0xb8;
	[tilespmem:$0x5C10] =	vst v63  }
0x15c: {  	s23 =	sadd.s32 $0x6E0, s21  }
0x15d: {  	[spmem:s2] =	stream.indirect.scatter.add.f32 [tilespmem:s19], [sflag:$0x1], $0x10, s23, s18, $0xb8;
	[tilespmem:$0x5C10] =	vst v63  }
0x15e: {  	s24 =	sadd.s32 $0x730, s21  }
0x15f: {  	[spmem:s2] =	stream.indirect.scatter.add.f32 [tilespmem:s19], [sflag:$0x1], $0x10, s24, s18, $0xb8;
	[tilespmem:$0x5C10] =	vst v63  }
0x160: {  	s21 =	sadd.s32 $0x780, s21  }
0x161: {  	[spmem:s2] =	stream.indirect.scatter.add.f32 [tilespmem:s19], [sflag:$0x1], $0x10, s21, s18, $0xb8;
	[tilespmem:$0x5C10] =	vst v63  }
0x162: {  	_ =	swait.ge [sflag:s20], $0x500  }
0x163: {  	[sflag:s20] =	ssyncset.done $0x0  }
0x164: {  	[sflag:s20] =	ssyncadd.s32 $0xFFFFFB00  }
0x165: {  	_ =	swait.ge [sflag:s20], $0x500  }
0x166: {  	[sflag:s20] =	ssyncset.done $0x0  }
0x167: {  	[sflag:s20] =	ssyncadd.s32 $0xFFFFFB00  }
0x168: {  	_ =	swait.ge [sflag:s20], $0x500  }
0x169: {  	[sflag:s20] =	ssyncset.done $0x0  }
0x16a: {  	[sflag:s20] =	ssyncadd.s32 $0xFFFFFB00  }
0x16b: {  	_ =	swait.ge [sflag:s20], $0x500  }
0x16c: {  	[sflag:s20] =	ssyncset.done $0x0  }
0x16d: {  	[sflag:s20] =	ssyncadd.s32 $0xFFFFFB00  }
0x16e: {  	_ =	swait.ge [sflag:s20], $0x500  }
0x16f: {  	[sflag:s20] =	ssyncset.done $0x0  }
0x170: {  	[sflag:s20] =	ssyncadd.s32 $0xFFFFFB00  }
0x171: {  	_ =	swait.ge [sflag:s20], $0x500  }
0x172: {  	[sflag:s20] =	ssyncset.done $0x0  }
0x173: {  	[sflag:s20] =	ssyncadd.s32 $0xFFFFFB00  }
0x174: {  	_ =	swait.ge [sflag:s20], $0x500  }
0x175: {  	[sflag:s20] =	ssyncset.done $0x0  }
0x176: {  	[sflag:s20] =	ssyncadd.s32 $0xFFFFFB00  }
0x177: {  	_ =	swait.ge [sflag:s20], $0x500  }
0x178: {  	[sflag:s20] =	ssyncset.done $0x0  }
0x179: {  	[sflag:s20] =	ssyncadd.s32 $0xFFFFFB00  }
0x17a: {  	_ =	swait.ge [sflag:s20], $0x500  }
0x17b: {  	[sflag:s20] =	ssyncset.done $0x0  }
0x17c: {  	[sflag:s20] =	ssyncadd.s32 $0xFFFFFB00  }
0x17d: {  	_ =	swait.ge [sflag:s20], $0x500  }
0x17e: {  	[sflag:s20] =	ssyncset.done $0x0  }
0x17f: {  	[sflag:s20] =	ssyncadd.s32 $0xFFFFFB00  }
0x180: {  	_ =	swait.ge [sflag:s20], $0x500  }
0x181: {  	[sflag:s20] =	ssyncset.done $0x0  }
0x182: {  	[sflag:s20] =	ssyncadd.s32 $0xFFFFFB00  }
0x183: {  	_ =	swait.ge [sflag:s20], $0x500  }
0x184: {  	[sflag:s20] =	ssyncset.done $0x0  }
0x185: {  	[sflag:s20] =	ssyncadd.s32 $0xFFFFFB00  }
0x186: {  	_ =	swait.ge [sflag:s20], $0x500  }
0x187: {  	[sflag:s20] =	ssyncset.done $0x0  }
0x188: {  	[sflag:s20] =	ssyncadd.s32 $0xFFFFFB00  }
0x189: {  	_ =	swait.ge [sflag:s20], $0x500  }
0x18a: {  	[sflag:s20] =	ssyncset.done $0x0  }
0x18b: {  	[sflag:s20] =	ssyncadd.s32 $0xFFFFFB00  }
0x18c: {  	_ =	swait.ge [sflag:s20], $0x500  }
0x18d: {  	[sflag:s20] =	ssyncset.done $0x0  }
0x18e: {  	[sflag:s20] =	ssyncadd.s32 $0xFFFFFB00  }
0x18f: {  	_ =	swait.ge [sflag:s20], $0x500  }
0x190: {  	[sflag:s20] =	ssyncset.done $0x0  }
0x191: {  	[sflag:s20] =	ssyncadd.s32 $0xFFFFFB00  }
0x192: {  	_ =	swait.ge [sflag:s20], $0x500  }
0x193: {  	[sflag:s20] =	ssyncset.done $0x0  }
0x194: {  	[sflag:s20] =	ssyncadd.s32 $0xFFFFFB00  }
0x195: {  	_ =	swait.ge [sflag:s20], $0x500  }
0x196: {  	[sflag:s20] =	ssyncset.done $0x0  }
0x197: {  	[sflag:s20] =	ssyncadd.s32 $0xFFFFFB00  }
0x198: {  	_ =	swait.ge [sflag:s20], $0x500  }
0x199: {  	[sflag:s20] =	ssyncset.done $0x0  }
0x19a: {  	[sflag:s20] =	ssyncadd.s32 $0xFFFFFB00  }
0x19b: {  	_ =	swait.ge [sflag:s20], $0x500  }
0x19c: {  	[sflag:s20] =	ssyncset.done $0x0  }
0x19d: {  	[sflag:s20] =	ssyncadd.s32 $0xFFFFFB00  }
0x19e: {  	_ =	swait.ge [sflag:s20], $0x500  }
0x19f: {  	[sflag:s20] =	ssyncset.done $0x0  }
0x1a0: {  	[sflag:s20] =	ssyncadd.s32 $0xFFFFFB00  }
0x1a1: {  	_ =	swait.ge [sflag:s20], $0x500  }
0x1a2: {  	[sflag:s20] =	ssyncset.done $0x0  }
0x1a3: {  	[sflag:s20] =	ssyncadd.s32 $0xFFFFFB00  }
0x1a4: {  	_ =	swait.ge [sflag:s20], $0x500  }
0x1a5: {  	[sflag:s20] =	ssyncset.done $0x0  }
0x1a6: {  	[sflag:s20] =	ssyncadd.s32 $0xFFFFFB00  }
0x1a7: {  	_ =	swait.ge [sflag:s20], $0x500  }
0x1a8: {  	[sflag:s20] =	ssyncset.done $0x0  }
0x1a9: {  	[sflag:s20] =	ssyncadd.s32 $0xFFFFFB00  }
0x1aa: {  	_ =	swait.ge [sflag:s20], $0x500  }
0x1ab: {  	[sflag:s20] =	ssyncset.done $0x0  }
0x1ac: {  	s25 =	sshll.u32 s0, $0x6;
	[sflag:s20] =	ssyncadd.s32 $0xFFFFFB00  }
0x1ad: {  	s26 =	sshrl.u32 s5, $0x3;
	s21 =	sor.u32 $0x1C02, s25;
	[bflag:$0x0] =	sbarrier.arrive $0xFFFF  }
0x1ae: {  	[hbm:s10], [sflag:s21] =	dma.local [spmem:s26], $0x100  }
0x1af: {  	_ =	swait.ge [sflag:s16], $0x100  }
0x1b0: {  	[sflag:s16] =	ssyncset.done $0x0  }
0x1b1: {  	s28 =	sshrl.u32 s6, $0x3;
	[sflag:s16] =	ssyncadd.s32 $0xFFFFFF00  }
0x1b2: {  	[hbm:s11], [sflag:s21] =	dma.local [spmem:s28], $0x100  }
0x1b3: {  	_ =	swait.ge [sflag:s16], $0x100  }
0x1b4: {  	[sflag:s16] =	ssyncset.done $0x0  }
0x1b5: {  	s29 =	sshrl.u32 s7, $0x3;
	[sflag:s16] =	ssyncadd.s32 $0xFFFFFF00  }
0x1b6: {  	[hbm:s12], [sflag:s21] =	dma.local [spmem:s29], $0x100  }
0x1b7: {  	_ =	swait.ge [sflag:s16], $0x100  }
0x1b8: {  	[sflag:s16] =	ssyncset.done $0x0  }
0x1b9: {  	s30 =	sshrl.u32 s8, $0x3;
	[sflag:s16] =	ssyncadd.s32 $0xFFFFFF00  }
0x1ba: {  	[hbm:s13], [sflag:s21] =	dma.local [spmem:s30], $0x100  }
0x1bb: {  	s3 =	sadd.s32 $0x1, s3;
	_ =	swait.ge [sflag:s16], $0x100  }
0x1bc: {  	p0 =	sne.s32 s3, s15;
	[sflag:s16] =	ssyncset.done $0x0  }
.Ltmp3:
0x1bd: {  	s31 =	sshrl.u32 s9, $0x3;
	[sflag:s16] =	ssyncadd.s32 $0xFFFFFF00;
	(pc) =	sbr.rel @p0 .LBB2_1-.Ltmp3, $4  }
0x1be: {  	[hbm:s14], [sflag:s21] =	dma.local [spmem:s31], $0x100  }
0x1bf: {  	_ =	swait.ge [sflag:s16], $0x100  }
0x1c0: {  	[sflag:s16] =	ssyncset.done $0x0  }
0x1c1: {  	[sflag:s16] =	ssyncadd.s32 $0xFFFFFF00  }
0x1c2: {  	_ =	sfence.sel $0x180000  }
0x1c3: {  	[bflag:$0x0] =	sbarrier.arrive $0xFFFF  }
0x1c4: {  	p0 =	sne.s32 s0, $0x0;
	_ =	strace $0x90000047  }
0x1c5: {  	s0 =	sadd.s32 @!p0 $0x100000, s1;
	[bflag:$0x2] =	sbarrier.arrive $0xFFFF  }
0x1c6: {  	[sflag:s0] =	ssyncadd.tile.s32 @!p0 $0x1;
	_ =	shalt  }
.Lfunc_end2:
_tile_overlayer_lowered:
.L_overlay_start_2:
0x1c7: {  	(tag) =	ssettag $0x2  }
0x1c8: {  	s0 =	rddreg [dreg:$0x0];
	s2 =	stileid.u32  }
0x1c9: {  	s1 =	rddreg [dreg:$0x1];
	p0 =	sne.s32 s2, $0x0  }
0x1ca: {  	s3 =	rddreg [dreg:$0x2];
	[bflag:$0x3] =	sbarrier.arrive $0xFFFF;
	s2 =	simm.s32 @!p0 $0x1C02  }
0x1cb: {  	[timem:s3], [sflag:s2] =	dma.local @!p0 [hbm:s0], s1  }
0x1cc: {  	s0 =	simm.s32 @!p0 $0x2  }
0x1cd: {  	_ =	swait.ge @!p0 [sflag:s0], s1  }
0x1ce: {  	s1 =	ssub.s32 @!p0 $0x0, s1;
	[sflag:s0] =	ssyncset.done @!p0 $0x0  }
0x1cf: {  	[sflag:s0] =	ssyncadd.s32 @!p0 s1  }
0x1d0: {  	[bflag:$0x3] =	sbarrier.arrive $0xFFFF  }
0x1d1: {  	_ =	shalt  }

</sc_bundles>
